<compile_context>
chip_gen: v7x
topology: tpu7x:2x2x1
jax: 0.10.2.dev20260603
libtpu: 0.0.44.dev20260713+nightly
codegen_flags: <defaults>
</compile_context>

<pallas_src>
import jax
import jax.numpy as jnp
from jax import lax
from jax.experimental import pallas as pl
from jax.experimental.pallas import tpu as pltpu
from jax.experimental.pallas import tpu_sc as plsc

B, N, DIMS = 8, 4096, 3
C_IN, C_OUT, K, P = 64, 128, 16, 1024
C_MID = 32
C_HALF = 64
C_CAT = 96
DM = 2
DW = 128

Q = 256
TT = 256
NROWS = B * P * K + B * P


def _elu(x):
    return jnp.where(x > 0, x, jnp.exp(x) - 1.0)


def _col_from_row(row, n):
    r2 = jnp.broadcast_to(row, (n, n))
    ii = lax.broadcasted_iota(jnp.int32, (n, n), 0)
    jj = lax.broadcasted_iota(jnp.int32, (n, n), 1)
    return jnp.sum(jnp.where(ii == jj, r2, jnp.zeros_like(r2)), axis=1,
                   keepdims=True)


def _fps_body(px_ref, py_ref, pz_ref, rx_ref, ry_ref, rz_ref, cg_ref):
    px = px_ref[...]
    py = py_ref[...]
    pz = pz_ref[...]
    iota_n = lax.broadcasted_iota(jnp.int32, (B, N), 1)
    iota_p = lax.broadcasted_iota(jnp.int32, (B, P), 1)
    boff = lax.broadcasted_iota(jnp.int32, (B, 1), 0) * N
    ninf = jnp.float32(-jnp.inf)

    def body(i, carry):
        dist, far, cx, cy, cz, rx, ry, rz, cg = carry
        ohp = (iota_p == i)
        rx = rx + jnp.where(ohp, cx, 0.0)
        ry = ry + jnp.where(ohp, cy, 0.0)
        rz = rz + jnp.where(ohp, cz, 0.0)
        cg = cg + jnp.where(ohp, far + boff, 0)
        dx = px - cx
        dy = py - cy
        dz = pz - cz
        d = (dx * dx + dy * dy) + dz * dz
        dist = jnp.minimum(dist, d)
        mx = jnp.max(dist, axis=1, keepdims=True)
        sel = dist == mx
        far = jnp.min(jnp.where(sel, iota_n, N), axis=1, keepdims=True)
        one = iota_n == far
        cx = jnp.max(jnp.where(one, px, ninf), axis=1, keepdims=True)
        cy = jnp.max(jnp.where(one, py, ninf), axis=1, keepdims=True)
        cz = jnp.max(jnp.where(one, pz, ninf), axis=1, keepdims=True)
        return dist, far, cx, cy, cz, rx, ry, rz, cg

    dist0 = jnp.full((B, N), 1e10, jnp.float32)
    far0 = jnp.zeros((B, 1), jnp.int32)
    z = jnp.zeros((B, P), jnp.float32)
    zi = jnp.zeros((B, P), jnp.int32)
    st = lax.fori_loop(0, P, body,
                       (dist0, far0, px[:, 0:1], py[:, 0:1], pz[:, 0:1],
                        z, z, z, zi))
    _, _, _, _, _, rx, ry, rz, cg = st
    rx_ref[...] = rx
    ry_ref[...] = ry
    rz_ref[...] = rz
    cg_ref[...] = cg


def _fps_call(px, py, pz):
    out = [jax.ShapeDtypeStruct((B, P), jnp.float32)] * 3 + [
        jax.ShapeDtypeStruct((B, P), jnp.int32)]
    return pl.pallas_call(_fps_body, out_shape=tuple(out))(px, py, pz)


def _table_body(pts_ref, fts_ref, w_ref, b_ref, out_ref):
    t = _elu(jnp.dot(fts_ref[...], w_ref[...],
                     preferred_element_type=jnp.float32) + b_ref[...])
    pad = jnp.zeros((pts_ref.shape[0], DW - DIMS - C_HALF), jnp.float32)
    out_ref[...] = jnp.concatenate([pts_ref[...], t, pad], axis=1)


def _table_call(pts_f, fts_f, w, b):
    tb = 2048
    grid = (B * N // tb,)
    return pl.pallas_call(
        _table_body,
        grid=grid,
        in_specs=[
            pl.BlockSpec((tb, DIMS), lambda i: (i, 0)),
            pl.BlockSpec((tb, C_IN), lambda i: (i, 0)),
            pl.BlockSpec((C_IN, C_HALF), lambda i: (0, 0)),
            pl.BlockSpec((1, C_HALF), lambda i: (0, 0)),
        ],
        out_specs=pl.BlockSpec((tb, DW), lambda i: (i, 0)),
        out_shape=jax.ShapeDtypeStruct((B * N, DW), jnp.float32),
    )(pts_f, fts_f, w, b)


def _knn_body(rx_ref, ry_ref, rz_ref, px_ref, py_ref, pz_ref, out_ref):
    b = pl.program_id(0)
    qx = _col_from_row(rx_ref[...].reshape(1, Q), Q)
    qy = _col_from_row(ry_ref[...].reshape(1, Q), Q)
    qz = _col_from_row(rz_ref[...].reshape(1, Q), Q)
    dx = qx - px_ref[...].reshape(1, N)
    dy = qy - py_ref[...].reshape(1, N)
    dz = qz - pz_ref[...].reshape(1, N)
    d2 = (dx * dx + dy * dy) + dz * dz
    iota_n = lax.broadcasted_iota(jnp.int32, (Q, N), 1)
    cols = []
    for _ in range(K):
        m = jnp.min(d2, axis=1, keepdims=True)
        sel = jnp.min(jnp.where(d2 == m, iota_n, N), axis=1, keepdims=True)
        cols.append(sel)
        d2 = jnp.where(iota_n == sel, jnp.inf, d2)
    idx = jnp.concatenate(cols, axis=1) + b * N
    out_ref[0] = idx


def _knn_call(rx, ry, rz, px, py, pz):
    grid = (B, P // Q)
    nq = P // Q
    r3 = lambda a: a.reshape(B * nq, 1, Q)
    p3 = lambda a: a.reshape(B, 1, N)
    rspec = pl.BlockSpec((1, 1, Q), lambda b, q: (b * nq + q, 0, 0))
    pspec = pl.BlockSpec((1, 1, N), lambda b, q: (b, 0, 0))
    return pl.pallas_call(
        _knn_body,
        grid=grid,
        in_specs=[rspec, rspec, rspec, pspec, pspec, pspec],
        out_specs=pl.BlockSpec((1, Q, K), lambda b, q: (b, q, 0)),
        out_shape=jax.ShapeDtypeStruct((B, P, K), jnp.int32),
    )(r3(rx), r3(ry), r3(rz), p3(px), p3(py), p3(pz))


NW = 32
RPW = NROWS // NW
CH = 128
NCH = RPW // CH


def _sc_gather_body(table_hbm, idx_hbm, out_hbm, idx_v, buf, sem):
    wid = lax.axis_index("s") * 2 + lax.axis_index("c")
    base = wid * RPW
    pltpu.sync_copy(idx_hbm.at[pl.ds(base, RPW)], idx_v)

    def chunk(g, carry):
        off = g * CH
        pltpu.async_copy(table_hbm.at[idx_v.at[pl.ds(off, CH)]], buf,
                         sem).wait()
        pltpu.sync_copy(buf, out_hbm.at[pl.ds(base + off, CH)])
        return carry

    lax.fori_loop(0, NCH, chunk, 0)


def _sc_gather_call(table, idx_all):
    mesh = plsc.VectorSubcoreMesh(core_axis_name="c", subcore_axis_name="s")
    f = pl.kernel(
        _sc_gather_body,
        out_type=jax.ShapeDtypeStruct((NROWS, DW), jnp.float32),
        mesh=mesh,
        scratch_types=[
            pltpu.VMEM((RPW,), jnp.int32),
            pltpu.VMEM((CH, DW), jnp.float32),
            pltpu.SemaphoreType.DMA,
        ],
    )
    return f(table, idx_all)


def _tail_body(g2_ref, rg_ref, wd1b_ref, bd1t_ref, wd2b_ref, bd2t_ref,
               wc48_ref, bc_ref, wdc1b_ref, bdc1_ref, wdc2bp_ref,
               bdc2p_ref, wsd2_ref, bsd_ref, wsp_ref, bsp_ref, out_ref):
    g2 = g2_ref[...]

    rgc = rg_ref[:, 0:DIMS]
    pl48 = jnp.concatenate(
        [g2[:, k * DW:k * DW + DIMS] for k in range(K)], axis=1)
    pl48 = pl48 - jnp.concatenate([rgc] * K, axis=1)

    l1 = _elu(jnp.dot(pl48, wd1b_ref[...],
                      preferred_element_type=jnp.float32) + bd1t_ref[...])
    l2 = _elu(jnp.dot(l1, wd2b_ref[...],
                      preferred_element_type=jnp.float32) + bd2t_ref[...])

    x0 = _elu(jnp.dot(pl48, wc48_ref[...],
                      preferred_element_type=jnp.float32) + bc_ref[...])
    x1 = _elu(jnp.dot(x0, wdc1b_ref[...],
                      preferred_element_type=jnp.float32) + bdc1_ref[...])
    x2p = jnp.dot(x1, wdc2bp_ref[...],
                  preferred_element_type=jnp.float32) + bdc2p_ref[...]

    acc = None
    for j in range(K):
        x5j = x2p[:, j * K:(j + 1) * K]
        sj = jnp.dot(x5j, wsd2_ref[...],
                     preferred_element_type=jnp.float32)
        fcj = jnp.concatenate(
            [l2[:, j * C_MID:(j + 1) * C_MID],
             g2[:, j * DW + DIMS:j * DW + DIMS + C_HALF]], axis=1)
        fce = jnp.concatenate([fcj] * DM, axis=1)
        t = fce * sj
        acc = t if acc is None else acc + t

    dwb = acc + bsd_ref[...]
    out = _elu(jnp.dot(dwb, wsp_ref[...],
                       preferred_element_type=jnp.float32) + bsp_ref[...])
    out_ref[...] = out


def _tail_call(g2, rg, wd1b, bd1t, wd2b, bd2t, wc48, bc, wdc1b, bdc1,
               wdc2bp, bdc2p, wsd2, bsd_r, wsp_r, bsp):
    grid = (B * P // TT,)
    full = lambda a: pl.BlockSpec(a.shape, lambda i: (0,) * a.ndim)
    return pl.pallas_call(
        _tail_body,
        grid=grid,
        in_specs=[
            pl.BlockSpec((TT, K * DW), lambda i: (i, 0)),
            pl.BlockSpec((TT, DW), lambda i: (i, 0)),
            full(wd1b), full(bd1t), full(wd2b), full(bd2t),
            full(wc48), full(bc), full(wdc1b), full(bdc1),
            full(wdc2bp), full(bdc2p), full(wsd2), full(bsd_r),
            full(wsp_r), full(bsp),
        ],
        out_specs=pl.BlockSpec((TT, C_OUT), lambda i: (i, 0)),
        out_shape=jax.ShapeDtypeStruct((B * P, C_OUT), jnp.float32),
    )(g2, rg, wd1b, bd1t, wd2b, bd2t, wc48, bc, wdc1b, bdc1, wdc2bp,
      bdc2p, wsd2, bsd_r, wsp_r, bsp)


def kernel(pts, fts, W_dense, b_dense, W_d1, b_d1, W_d2, b_d2, W_conv,
           b_conv, W_dc1, b_dc1, W_dc2, b_dc2, W_sd, b_sd, W_sp, b_sp):
    px = pts[:, :, 0]
    py = pts[:, :, 1]
    pz = pts[:, :, 2]

    rx, ry, rz, cg = _fps_call(px, py, pz)

    table = _table_call(pts.reshape(B * N, DIMS), fts.reshape(B * N, C_IN),
                        W_dense, b_dense.reshape(1, C_HALF))

    idx3 = _knn_call(rx, ry, rz, px, py, pz)
    idx_all = jnp.concatenate([idx3.reshape(-1), cg.reshape(-1)])

    rows = _sc_gather_call(table, idx_all)
    g2 = rows[:B * P * K].reshape(B * P, K * DW)
    rg = rows[B * P * K:]

    wc48 = W_conv.transpose(2, 1, 0).reshape(K * DIMS, K * K)
    delta = jnp.eye(K, dtype=jnp.float32)
    wd1b = jnp.einsum('kh,cm->kchm', delta, W_d1).reshape(
        K * DIMS, K * C_MID)
    bd1t = jnp.tile(b_d1, K).reshape(1, K * C_MID)
    wd2b = jnp.einsum('kh,mn->kmhn', delta, W_d2).reshape(
        K * C_MID, K * C_MID)
    bd2t = jnp.tile(b_d2, K).reshape(1, K * C_MID)
    wdc1b = jnp.einsum('gmk,hg->khgm', W_dc1, delta).reshape(K * K, K * K)
    wdc2b = jnp.einsum('gmk,hg->khgm', W_dc2, delta).reshape(K * K, K * K)
    wdc2bp = wdc2b.reshape(K * K, K, K).transpose(0, 2, 1).reshape(
        K * K, K * K)
    bdc2p = b_dc2.reshape(K, K).T.reshape(1, K * K)
    wsd2 = W_sd.transpose(2, 1, 0).reshape(K, DM * C_CAT)
    bsd_r = b_sd.reshape(C_CAT, DM).T.reshape(1, DM * C_CAT)
    wsp_r = W_sp.reshape(C_CAT, DM, C_OUT).transpose(1, 0, 2).reshape(
        DM * C_CAT, C_OUT)

    fts_p = _tail_call(g2, rg, wd1b, bd1t, wd2b, bd2t,
                       wc48, b_conv.reshape(1, K * K),
                       wdc1b, b_dc1.reshape(1, K * K),
                       wdc2bp, bdc2p, wsd2, bsd_r, wsp_r,
                       b_sp.reshape(1, C_OUT))

    rep_pts = jnp.stack([rx, ry, rz], axis=-1)
    return rep_pts, fts_p.reshape(B, P, C_OUT)

# --- scband reference (transcript-rebuilt; emitter-appended) ---
"""Pipeline reference for scband-fps-point-cnn-24584392802804 (READ-ONLY COPY).

The authoritative reference and input builder live on the scoring server;
editing this copy changes nothing except your own understanding.
"""

import jax, jax.numpy as jnp
import numpy as np

B, N, DIMS = 8, 4096, 3
C_IN, C_OUT, K, P = 64, 128, 16, 1024
C_MID = C_OUT // 4
DM = min(int(np.ceil(C_OUT / C_IN)), 4)
C_HALF = C_OUT // 2
C_CAT = C_MID + C_HALF


def setup_inputs(seed: int = 0):
    key = jax.random.key(seed)
    ks = jax.random.split(key, 12)
    s = 0.05
    return {
        "pts": jax.random.normal(ks[0], (B, N, DIMS), jnp.float32),
        "fts": jax.random.normal(ks[1], (B, N, C_IN), jnp.float32),
        "W_dense": jax.random.normal(ks[2], (C_IN, C_HALF), jnp.float32) * s,
        "b_dense": jnp.zeros((C_HALF,), jnp.float32),
        "W_d1": jax.random.normal(ks[3], (DIMS, C_MID), jnp.float32) * s,
        "b_d1": jnp.zeros((C_MID,), jnp.float32),
        "W_d2": jax.random.normal(ks[4], (C_MID, C_MID), jnp.float32) * s,
        "b_d2": jnp.zeros((C_MID,), jnp.float32),
        "W_conv": jax.random.normal(ks[5], (K * K, DIMS, K), jnp.float32) * s,
        "b_conv": jnp.zeros((K * K,), jnp.float32),
        "W_dc1": jax.random.normal(ks[6], (K, K, K), jnp.float32) * s,
        "b_dc1": jnp.zeros((K * K,), jnp.float32),
        "W_dc2": jax.random.normal(ks[7], (K, K, K), jnp.float32) * s,
        "b_dc2": jnp.zeros((K * K,), jnp.float32),
        "W_sd": jax.random.normal(ks[8], (C_CAT, DM, K), jnp.float32) * s,
        "b_sd": jnp.zeros((C_CAT * DM,), jnp.float32),
        "W_sp": jax.random.normal(ks[9], (C_CAT * DM, C_OUT), jnp.float32) * s,
        "b_sp": jnp.zeros((C_OUT,), jnp.float32),
    }


def _fps_idx(xyz, npoint):
    b, n, _ = xyz.shape

    def body(i, state):
        cen, dist, far = state
        cen = cen.at[:, i].set(far)
        c = jnp.take_along_axis(xyz, far[:, None, None], axis=1)
        d = jnp.sum((xyz - c) ** 2, -1)
        dist = jnp.minimum(dist, d)
        far = jnp.argmax(dist, -1).astype(jnp.int32)
        return cen, dist, far

    cen0 = jnp.zeros((b, npoint), jnp.int32)
    dist0 = jnp.full((b, n), 1e10, xyz.dtype)
    far0 = jnp.zeros((b,), jnp.int32)
    cen, _, _ = jax.lax.fori_loop(0, npoint, body, (cen0, dist0, far0))
    return cen


def _gather(a, i):
    return jax.vmap(lambda x, y: x[y])(a, i)


def _forward(pts, fts, W_dense, b_dense, W_d1, b_d1, W_d2, b_d2, W_conv, b_conv,
             W_dc1, b_dc1, W_dc2, b_dc2, W_sd, b_sd, W_sp, b_sp):
    # FPS (index selection is non-differentiable, like torch)
    cen = _fps_idx(jax.lax.stop_gradient(pts), P)
    rep_pts = jnp.take_along_axis(pts, cen[:, :, None], axis=1)  # [B,P,3]
    # PointCNN dense on features (Linear + ELU)
    fts_d = jax.nn.elu(fts @ W_dense + b_dense)  # [B,N,C_HALF]
    # brute-force KNN of pts around rep_pts
    rp = jax.lax.stop_gradient(rep_pts)
    pp = jax.lax.stop_gradient(pts)
    d2 = jnp.sum((rp[:, :, None, :] - pp[:, None, :, :]) ** 2, -1)  # [B,P,N]
    _, idx = jax.lax.top_k(-d2, K)  # [B,P,K]
    pts_reg = _gather(pts, idx)    # [B,P,K,3]
    fts_reg = _gather(fts_d, idx)  # [B,P,K,C_HALF]
    # XConv
    pts_local = pts_reg - rep_pts[:, :, None, :]  # [B,P,K,3]
    lift = jax.nn.elu(jax.nn.elu(pts_local @ W_d1 + b_d1) @ W_d2 + b_d2)  # [B,P,K,C_MID]
    fts_cat = jnp.concatenate([lift, fts_reg], -1)  # [B,P,K,C_CAT]
    # Conv(3 -> K*K, kernel (1,K)) + ELU, channels-last
    X = jax.nn.elu(jnp.einsum('bpkc,ock->bpo', pts_local, W_conv) + b_conv).reshape(B, P, K, K)
    # depthwise conv 1 (groups=K, mult=K, kernel (1,K)) + ELU
    X = jax.nn.elu(jnp.einsum('bpkg,gmk->bpgm', X, W_dc1).reshape(B, P, K * K) + b_dc1).reshape(B, P, K, K)
    # depthwise conv 2, no activation
    X = (jnp.einsum('bpkg,gmk->bpgm', X, W_dc2).reshape(B, P, K * K) + b_dc2).reshape(B, P, K, K)
    # X-transform matmul
    fts_X = jnp.einsum('bpij,bpjc->bpic', X, fts_cat)  # [B,P,K,C_CAT]
    # SepConv: depthwise (kernel (1,K), mult=DM) then pointwise 1x1 to C_OUT, + ELU
    dw = jnp.einsum('bpkc,cmk->bpcm', fts_X, W_sd).reshape(B, P, C_CAT * DM) + b_sd
    fts_p = jax.nn.elu(dw @ W_sp + b_sp)  # [B,P,C_OUT]
    return rep_pts, fts_p


def reference(pts, fts, W_dense, b_dense, W_d1, b_d1, W_d2, b_d2, W_conv, b_conv,
              W_dc1, b_dc1, W_dc2, b_dc2, W_sd, b_sd, W_sp, b_sp):
    return _forward(pts, fts, W_dense, b_dense, W_d1, b_d1, W_d2, b_d2, W_conv, b_conv,
                    W_dc1, b_dc1, W_dc2, b_dc2, W_sd, b_sd, W_sp, b_sp)

if __name__ == "__main__":
    import jax
    _d = setup_inputs()
    print(jax.jit(kernel)(*tuple(_d.values())))

</pallas_src>

<mosaic_0001>
#map = affine_map<(d0, d1) -> (0, 0)>
#map1 = affine_map<(d0, d1) -> (0)>
module attributes {stable_mosaic.version = 14 : i64} {
  func.func @_sc_gather_body(%arg0: i32, %arg1: i32, %arg2: memref<32768x128xf32, #tpu.memory_space<hbm>>, %arg3: memref<139264xi32, #tpu.memory_space<hbm>>, %arg4: memref<139264x128xf32, #tpu.memory_space<hbm>>, %arg5: memref<4352xi32, #tpu.memory_space<vmem>>, %arg6: memref<128x128xf32, #tpu.memory_space<vmem>>, %arg7: memref<!tpu.dma_semaphore, #tpu.memory_space<semaphore_mem>>) attributes {dimension_semantics = [#tpu.dimension_semantics<core_parallel>, #tpu.dimension_semantics<subcore_parallel>], iteration_bounds = array<i64: 2, 16>, scalar_prefetch = 0 : i64, scratch_operands = 3 : i64, tpu.core_type = #tpu.core_type<sc_vector_subcore>, window_params = [{transform_indices = #map}, {transform_indices = #map1}, {transform_indices = #map}]} {
    %mul3A = arith.constant 2 : i32
    %mul3A_0 = arith.muli %arg1, %mul3A : i32
    %add3A = arith.addi %mul3A_0, %arg0 : i32
    %mul3A_1 = arith.constant 4352 : i32
    %mul3A_2 = arith.muli %add3A, %mul3A_1 : i32
    "tpu.region"() ({
      %run_scoped3A = tpu.sem_alloc : memref<!tpu.dma_semaphore, #tpu.memory_space<semaphore_mem>>
      %dma_start3A = tpu.memref_slice %arg3[%mul3A_2] : memref<139264xi32, #tpu.memory_space<hbm>> -> memref<4352xi32, #tpu.memory_space<hbm>>
      %dma_start3A_8 = tpu.memref_slice %arg3[%mul3A_2] : memref<139264xi32, #tpu.memory_space<hbm>> -> memref<4352xi32, #tpu.memory_space<hbm>>
      tpu.enqueue_dma source(%dma_start3A_8 : memref<4352xi32, #tpu.memory_space<hbm>>) target(%arg5 : memref<4352xi32, #tpu.memory_space<vmem>>) target_semaphore(%run_scoped3A : memref<!tpu.dma_semaphore, #tpu.memory_space<semaphore_mem>>)
      %dma_wait3A = tpu.memref_slice %arg3[%mul3A_2] : memref<139264xi32, #tpu.memory_space<hbm>> -> memref<4352xi32, #tpu.memory_space<hbm>>
      %dma_wait3A_9 = tpu.memref_slice %arg3[%mul3A_2] : memref<139264xi32, #tpu.memory_space<hbm>> -> memref<4352xi32, #tpu.memory_space<hbm>>
      tpu.wait_dma2 semaphore(%run_scoped3A : memref<!tpu.dma_semaphore, #tpu.memory_space<semaphore_mem>>) src(%dma_wait3A_9 : memref<4352xi32, #tpu.memory_space<hbm>>) dst(%arg5 : memref<4352xi32, #tpu.memory_space<vmem>>)
      tpu.yield
    }) : () -> ()
    %scan3A = arith.constant 0 : i32
    %scan3A_3 = arith.constant 0 : i32
    %scan3A_4 = arith.constant 34 : i32
    %scan3A_5 = arith.addi %scan3A_3, %scan3A_4 : i32
    %scan3A_6 = arith.constant 1 : i32
    scf.for %scan3A_8 = %scan3A_3 to %scan3A_5 step %scan3A_6  : i32 {
      %mul3A_9 = arith.constant 128 : i32
      %mul3A_10 = arith.muli %scan3A_8, %mul3A_9 : i32
      %dma_start3A = tpu.memref_slice %arg5[%mul3A_10] : memref<4352xi32, #tpu.memory_space<vmem>> -> memref<128xi32, #tpu.memory_space<vmem>>
      %dma_start3A_11 = arith.constant 0 : i32
      %dma_start3A_12 = arith.constant 0 : i32
      %dma_start3A_13 = tpu.memref_slice %arg2[%dma_start3A_11, %dma_start3A_12] : memref<32768x128xf32, #tpu.memory_space<hbm>> -> memref<32768x128xf32, #tpu.memory_space<hbm>>
      tpu.enqueue_indirect_dma source(%dma_start3A_13 : memref<32768x128xf32, #tpu.memory_space<hbm>>) target(%arg6 : memref<128x128xf32, #tpu.memory_space<vmem>>) offsets(%dma_start3A : memref<128xi32, #tpu.memory_space<vmem>>) semaphore(%arg7 : memref<!tpu.dma_semaphore, #tpu.memory_space<semaphore_mem>>)
      %dma_wait3A = tpu.memref_slice %arg5[%mul3A_10] : memref<4352xi32, #tpu.memory_space<vmem>> -> memref<128xi32, #tpu.memory_space<vmem>>
      %dma_wait3A_14 = arith.constant 0 : i32
      %dma_wait3A_15 = arith.constant 0 : i32
      %dma_wait3A_16 = tpu.memref_slice %arg2[%dma_wait3A_14, %dma_wait3A_15] : memref<32768x128xf32, #tpu.memory_space<hbm>> -> memref<32768x128xf32, #tpu.memory_space<hbm>>
      tpu.wait_indirect_dma semaphore(%arg7 : memref<!tpu.dma_semaphore, #tpu.memory_space<semaphore_mem>>) src(%dma_wait3A_16 : memref<32768x128xf32, #tpu.memory_space<hbm>>) dst(%arg6 : memref<128x128xf32, #tpu.memory_space<vmem>>)
      %add3A_17 = arith.addi %mul3A_2, %mul3A_10 : i32
      "tpu.region"() ({
        %run_scoped3A = tpu.sem_alloc : memref<!tpu.dma_semaphore, #tpu.memory_space<semaphore_mem>>
        %dma_start3A_18 = arith.constant 0 : i32
        %dma_start3A_19 = tpu.memref_slice %arg4[%add3A_17, %dma_start3A_18] : memref<139264x128xf32, #tpu.memory_space<hbm>> -> memref<128x128xf32, #tpu.memory_space<hbm>>
        %dma_start3A_20 = arith.constant 0 : i32
        %dma_start3A_21 = tpu.memref_slice %arg4[%add3A_17, %dma_start3A_20] : memref<139264x128xf32, #tpu.memory_space<hbm>> -> memref<128x128xf32, #tpu.memory_space<hbm>>
        tpu.enqueue_dma source(%arg6 : memref<128x128xf32, #tpu.memory_space<vmem>>) target(%dma_start3A_21 : memref<128x128xf32, #tpu.memory_space<hbm>>) target_semaphore(%run_scoped3A : memref<!tpu.dma_semaphore, #tpu.memory_space<semaphore_mem>>)
        %dma_wait3A_22 = arith.constant 0 : i32
        %dma_wait3A_23 = tpu.memref_slice %arg4[%add3A_17, %dma_wait3A_22] : memref<139264x128xf32, #tpu.memory_space<hbm>> -> memref<128x128xf32, #tpu.memory_space<hbm>>
        %dma_wait3A_24 = arith.constant 0 : i32
        %dma_wait3A_25 = tpu.memref_slice %arg4[%add3A_17, %dma_wait3A_24] : memref<139264x128xf32, #tpu.memory_space<hbm>> -> memref<128x128xf32, #tpu.memory_space<hbm>>
        tpu.wait_dma2 semaphore(%run_scoped3A : memref<!tpu.dma_semaphore, #tpu.memory_space<semaphore_mem>>) src(%arg6 : memref<128x128xf32, #tpu.memory_space<vmem>>) dst(%dma_wait3A_25 : memref<128x128xf32, #tpu.memory_space<hbm>>)
        tpu.yield
      }) : () -> ()
    }
    %scan3A_7 = arith.constant 34 : i32
    return
  }
}

module attributes {stable_mosaic.version = 14 : i64} {
  func.func @_fps_body(%arg0: memref<8x4096xf32, #tpu.memory_space<vmem>>, %arg1: memref<8x4096xf32, #tpu.memory_space<vmem>>, %arg2: memref<8x4096xf32, #tpu.memory_space<vmem>>, %arg3: memref<8x1024xf32, #tpu.memory_space<vmem>>, %arg4: memref<8x1024xf32, #tpu.memory_space<vmem>>, %arg5: memref<8x1024xf32, #tpu.memory_space<vmem>>, %arg6: memref<8x1024xi32, #tpu.memory_space<vmem>>) attributes {dimension_semantics = [], scalar_prefetch = 0 : i64, scratch_operands = 0 : i64, tpu.core_type = #tpu.core_type<tc>} {
    %get3A = arith.constant 0 : index
    %get3A_0 = arith.constant 0 : index
    %get3A_1 = vector.load %arg0[%get3A, %get3A_0] : memref<8x4096xf32, #tpu.memory_space<vmem>>, vector<8x4096xf32>
    %get3A_2 = arith.constant 0 : index
    %get3A_3 = arith.constant 0 : index
    %get3A_4 = vector.load %arg1[%get3A_2, %get3A_3] : memref<8x4096xf32, #tpu.memory_space<vmem>>, vector<8x4096xf32>
    %get3A_5 = arith.constant 0 : index
    %get3A_6 = arith.constant 0 : index
    %get3A_7 = vector.load %arg2[%get3A_5, %get3A_6] : memref<8x4096xf32, #tpu.memory_space<vmem>>, vector<8x4096xf32>
    %iota3A = tpu.iota {dimensions = array<i32: 1>} : vector<8x4096xi32>
    %iota3A_8 = tpu.iota {dimensions = array<i32: 1>} : vector<8x1024xi32>
    %iota3A_9 = tpu.iota {dimensions = array<i32: 0>} : vector<8x1xi32>
    %mul3A = arith.constant 4096 : i32
    %mul3A_10 = vector.broadcast %mul3A : i32 to vector<8x1xi32>
    %mul3A_11 = arith.muli %iota3A_9, %mul3A_10 : vector<8x1xi32>
    %broadcast_in_dim3A = arith.constant 1.000000e+10 : f32
    %broadcast_in_dim3A_12 = vector.broadcast %broadcast_in_dim3A : f32 to vector<8x4096xf32>
    %broadcast_in_dim3A_13 = arith.constant 0 : i32
    %broadcast_in_dim3A_14 = vector.broadcast %broadcast_in_dim3A_13 : i32 to vector<8x1xi32>
    %broadcast_in_dim3A_15 = arith.constant 0.000000e+00 : f32
    %broadcast_in_dim3A_16 = vector.broadcast %broadcast_in_dim3A_15 : f32 to vector<8x1024xf32>
    %broadcast_in_dim3A_17 = arith.constant 0 : i32
    %broadcast_in_dim3A_18 = vector.broadcast %broadcast_in_dim3A_17 : i32 to vector<8x1024xi32>
    %slice3A = vector.extract_strided_slice %get3A_1 {offsets = [0, 0], sizes = [8, 1], strides = [1, 1]} : vector<8x4096xf32> to vector<8x1xf32>
    %slice3A_19 = vector.extract_strided_slice %get3A_4 {offsets = [0, 0], sizes = [8, 1], strides = [1, 1]} : vector<8x4096xf32> to vector<8x1xf32>
    %slice3A_20 = vector.extract_strided_slice %get3A_7 {offsets = [0, 0], sizes = [8, 1], strides = [1, 1]} : vector<8x4096xf32> to vector<8x1xf32>
    %scan3A = arith.constant 0xFF800000 : f32
    %scan3A_21 = arith.constant 0 : i32
    %scan3A_22 = arith.constant 1024 : i32
    %scan3A_23 = arith.addi %scan3A_21, %scan3A_22 : i32
    %scan3A_24 = arith.constant 1 : i32
    %scan3A_25:9 = scf.for %scan3A_38 = %scan3A_21 to %scan3A_23 step %scan3A_24 iter_args(%scan3A_39 = %broadcast_in_dim3A_12, %scan3A_40 = %broadcast_in_dim3A_14, %scan3A_41 = %slice3A, %scan3A_42 = %slice3A_19, %scan3A_43 = %slice3A_20, %scan3A_44 = %broadcast_in_dim3A_16, %scan3A_45 = %broadcast_in_dim3A_16, %scan3A_46 = %broadcast_in_dim3A_16, %scan3A_47 = %broadcast_in_dim3A_18) -> (vector<8x4096xf32>, vector<8x1xi32>, vector<8x1xf32>, vector<8x1xf32>, vector<8x1xf32>, vector<8x1024xf32>, vector<8x1024xf32>, vector<8x1024xf32>, vector<8x1024xi32>)  : i32 {
      %eq3A = vector.broadcast %scan3A_38 : i32 to vector<8x1024xi32>
      %eq3A_48 = arith.cmpi eq, %iota3A_8, %eq3A : vector<8x1024xi32>
      %jit3A = arith.constant 0.000000e+00 : f32
      %broadcast_in_dim3A_49 = vector.shape_cast %scan3A_41 : vector<8x1xf32> to vector<8x1xf32>
      %broadcast_in_dim3A_50 = vector.broadcast %broadcast_in_dim3A_49 : vector<8x1xf32> to vector<8x1024xf32>
      %broadcast_in_dim3A_51 = vector.broadcast %jit3A : f32 to vector<8x1024xf32>
      %select_n3A = arith.select %eq3A_48, %broadcast_in_dim3A_50, %broadcast_in_dim3A_51 : vector<8x1024xi1>, vector<8x1024xf32>
      %add3A = arith.addf %scan3A_44, %select_n3A : vector<8x1024xf32>
      %jit3A_52 = arith.constant 0.000000e+00 : f32
      %broadcast_in_dim3A_53 = vector.shape_cast %scan3A_42 : vector<8x1xf32> to vector<8x1xf32>
      %broadcast_in_dim3A_54 = vector.broadcast %broadcast_in_dim3A_53 : vector<8x1xf32> to vector<8x1024xf32>
      %broadcast_in_dim3A_55 = vector.broadcast %jit3A_52 : f32 to vector<8x1024xf32>
      %select_n3A_56 = arith.select %eq3A_48, %broadcast_in_dim3A_54, %broadcast_in_dim3A_55 : vector<8x1024xi1>, vector<8x1024xf32>
      %add3A_57 = arith.addf %scan3A_45, %select_n3A_56 : vector<8x1024xf32>
      %jit3A_58 = arith.constant 0.000000e+00 : f32
      %broadcast_in_dim3A_59 = vector.shape_cast %scan3A_43 : vector<8x1xf32> to vector<8x1xf32>
      %broadcast_in_dim3A_60 = vector.broadcast %broadcast_in_dim3A_59 : vector<8x1xf32> to vector<8x1024xf32>
      %broadcast_in_dim3A_61 = vector.broadcast %jit3A_58 : f32 to vector<8x1024xf32>
      %select_n3A_62 = arith.select %eq3A_48, %broadcast_in_dim3A_60, %broadcast_in_dim3A_61 : vector<8x1024xi1>, vector<8x1024xf32>
      %add3A_63 = arith.addf %scan3A_46, %select_n3A_62 : vector<8x1024xf32>
      %add3A_64 = arith.addi %scan3A_40, %mul3A_11 : vector<8x1xi32>
      %jit3A_65 = arith.constant 0 : i32
      %broadcast_in_dim3A_66 = vector.shape_cast %add3A_64 : vector<8x1xi32> to vector<8x1xi32>
      %broadcast_in_dim3A_67 = vector.broadcast %broadcast_in_dim3A_66 : vector<8x1xi32> to vector<8x1024xi32>
      %broadcast_in_dim3A_68 = vector.broadcast %jit3A_65 : i32 to vector<8x1024xi32>
      %select_n3A_69 = arith.select %eq3A_48, %broadcast_in_dim3A_67, %broadcast_in_dim3A_68 : vector<8x1024xi1>, vector<8x1024xi32>
      %add3A_70 = arith.addi %scan3A_47, %select_n3A_69 : vector<8x1024xi32>
      %sub3A = vector.broadcast %scan3A_41 : vector<8x1xf32> to vector<8x4096xf32>
      %sub3A_71 = arith.subf %get3A_1, %sub3A : vector<8x4096xf32>
      %sub3A_72 = vector.broadcast %scan3A_42 : vector<8x1xf32> to vector<8x4096xf32>
      %sub3A_73 = arith.subf %get3A_4, %sub3A_72 : vector<8x4096xf32>
      %sub3A_74 = vector.broadcast %scan3A_43 : vector<8x1xf32> to vector<8x4096xf32>
      %sub3A_75 = arith.subf %get3A_7, %sub3A_74 : vector<8x4096xf32>
      %mul3A_76 = arith.mulf %sub3A_71, %sub3A_71 : vector<8x4096xf32>
      %mul3A_77 = arith.mulf %sub3A_73, %sub3A_73 : vector<8x4096xf32>
      %add3A_78 = arith.addf %mul3A_76, %mul3A_77 : vector<8x4096xf32>
      %mul3A_79 = arith.mulf %sub3A_75, %sub3A_75 : vector<8x4096xf32>
      %add3A_80 = arith.addf %add3A_78, %mul3A_79 : vector<8x4096xf32>
      %min3A = arith.minimumf %scan3A_39, %add3A_80 : vector<8x4096xf32>
      %reduce_max3A = arith.constant dense<0xFF800000> : vector<8xf32>
      %reduce_max3A_81 = vector.multi_reduction <maximumf>, %min3A, %reduce_max3A [1] : vector<8x4096xf32> to vector<8xf32>
      %broadcast_in_dim3A_82 = vector.shape_cast %reduce_max3A_81 : vector<8xf32> to vector<8x1xf32>
      %eq3A_83 = vector.broadcast %broadcast_in_dim3A_82 : vector<8x1xf32> to vector<8x4096xf32>
      %eq3A_84 = arith.cmpf oeq, %min3A, %eq3A_83 : vector<8x4096xf32>
      %jit3A_85 = arith.constant 4096 : i32
      %broadcast_in_dim3A_86 = vector.broadcast %jit3A_85 : i32 to vector<8x4096xi32>
      %select_n3A_87 = arith.select %eq3A_84, %iota3A, %broadcast_in_dim3A_86 : vector<8x4096xi1>, vector<8x4096xi32>
      %reduce_min3A = arith.constant dense<2147483647> : vector<8xi32>
      %reduce_min3A_88 = vector.multi_reduction <minsi>, %select_n3A_87, %reduce_min3A [1] : vector<8x4096xi32> to vector<8xi32>
      %broadcast_in_dim3A_89 = vector.shape_cast %reduce_min3A_88 : vector<8xi32> to vector<8x1xi32>
      %eq3A_90 = vector.broadcast %broadcast_in_dim3A_89 : vector<8x1xi32> to vector<8x4096xi32>
      %eq3A_91 = arith.cmpi eq, %iota3A, %eq3A_90 : vector<8x4096xi32>
      %broadcast_in_dim3A_92 = vector.broadcast %scan3A : f32 to vector<8x4096xf32>
      %select_n3A_93 = arith.select %eq3A_91, %get3A_1, %broadcast_in_dim3A_92 : vector<8x4096xi1>, vector<8x4096xf32>
      %reduce_max3A_94 = arith.constant dense<0xFF800000> : vector<8xf32>
      %reduce_max3A_95 = vector.multi_reduction <maximumf>, %select_n3A_93, %reduce_max3A_94 [1] : vector<8x4096xf32> to vector<8xf32>
      %broadcast_in_dim3A_96 = vector.shape_cast %reduce_max3A_95 : vector<8xf32> to vector<8x1xf32>
      %broadcast_in_dim3A_97 = vector.broadcast %scan3A : f32 to vector<8x4096xf32>
      %select_n3A_98 = arith.select %eq3A_91, %get3A_4, %broadcast_in_dim3A_97 : vector<8x4096xi1>, vector<8x4096xf32>
      %reduce_max3A_99 = arith.constant dense<0xFF800000> : vector<8xf32>
      %reduce_max3A_100 = vector.multi_reduction <maximumf>, %select_n3A_98, %reduce_max3A_99 [1] : vector<8x4096xf32> to vector<8xf32>
      %broadcast_in_dim3A_101 = vector.shape_cast %reduce_max3A_100 : vector<8xf32> to vector<8x1xf32>
      %broadcast_in_dim3A_102 = vector.broadcast %scan3A : f32 to vector<8x4096xf32>
      %select_n3A_103 = arith.select %eq3A_91, %get3A_7, %broadcast_in_dim3A_102 : vector<8x4096xi1>, vector<8x4096xf32>
      %reduce_max3A_104 = arith.constant dense<0xFF800000> : vector<8xf32>
      %reduce_max3A_105 = vector.multi_reduction <maximumf>, %select_n3A_103, %reduce_max3A_104 [1] : vector<8x4096xf32> to vector<8xf32>
      %broadcast_in_dim3A_106 = vector.shape_cast %reduce_max3A_105 : vector<8xf32> to vector<8x1xf32>
      scf.yield %min3A, %broadcast_in_dim3A_89, %broadcast_in_dim3A_96, %broadcast_in_dim3A_101, %broadcast_in_dim3A_106, %add3A, %add3A_57, %add3A_63, %add3A_70 : vector<8x4096xf32>, vector<8x1xi32>, vector<8x1xf32>, vector<8x1xf32>, vector<8x1xf32>, vector<8x1024xf32>, vector<8x1024xf32>, vector<8x1024xf32>, vector<8x1024xi32>
    }
    %scan3A_26 = arith.constant 1024 : i32
    %swap3A = arith.constant 0 : index
    %swap3A_27 = arith.constant 0 : index
    %swap3A_28 = vector.load %arg3[%swap3A, %swap3A_27] : memref<8x1024xf32, #tpu.memory_space<vmem>>, vector<8x1024xf32>
    tpu.vector_store %arg3[%swap3A, %swap3A_27], %scan3A_25#5 {strides = array<i32>} : memref<8x1024xf32, #tpu.memory_space<vmem>>, vector<8x1024xf32>,
    %swap3A_29 = arith.constant 0 : index
    %swap3A_30 = arith.constant 0 : index
    %swap3A_31 = vector.load %arg4[%swap3A_29, %swap3A_30] : memref<8x1024xf32, #tpu.memory_space<vmem>>, vector<8x1024xf32>
    tpu.vector_store %arg4[%swap3A_29, %swap3A_30], %scan3A_25#6 {strides = array<i32>} : memref<8x1024xf32, #tpu.memory_space<vmem>>, vector<8x1024xf32>,
    %swap3A_32 = arith.constant 0 : index
    %swap3A_33 = arith.constant 0 : index
    %swap3A_34 = vector.load %arg5[%swap3A_32, %swap3A_33] : memref<8x1024xf32, #tpu.memory_space<vmem>>, vector<8x1024xf32>
    tpu.vector_store %arg5[%swap3A_32, %swap3A_33], %scan3A_25#7 {strides = array<i32>} : memref<8x1024xf32, #tpu.memory_space<vmem>>, vector<8x1024xf32>,
    %swap3A_35 = arith.constant 0 : index
    %swap3A_36 = arith.constant 0 : index
    %swap3A_37 = vector.load %arg6[%swap3A_35, %swap3A_36] : memref<8x1024xi32, #tpu.memory_space<vmem>>, vector<8x1024xi32>
    tpu.vector_store %arg6[%swap3A_35, %swap3A_36], %scan3A_25#8 {strides = array<i32>} : memref<8x1024xi32, #tpu.memory_space<vmem>>, vector<8x1024xi32>,
    return
  }
}

module attributes {stable_mosaic.version = 14 : i64} {
  func.func @_knn_body(%arg0: i32, %arg1: i32, %arg2: memref<1x1x256xf32, #tpu.memory_space<vmem>>, %arg3: memref<1x1x256xf32, #tpu.memory_space<vmem>>, %arg4: memref<1x1x256xf32, #tpu.memory_space<vmem>>, %arg5: memref<1x1x4096xf32, #tpu.memory_space<vmem>>, %arg6: memref<1x1x4096xf32, #tpu.memory_space<vmem>>, %arg7: memref<1x1x4096xf32, #tpu.memory_space<vmem>>, %arg8: memref<1x256x16xi32, #tpu.memory_space<vmem>>) attributes {dimension_semantics = [#tpu.dimension_semantics<arbitrary>, #tpu.dimension_semantics<arbitrary>], iteration_bounds = array<i64: 8, 4>, scalar_prefetch = 0 : i64, scratch_operands = 0 : i64, tpu.core_type = #tpu.core_type<tc>, window_params = [{transform_indices = @transform_0, window_bounds = array<i64: 1, 1, 256>}, {transform_indices = @transform_1, window_bounds = array<i64: 1, 1, 256>}, {transform_indices = @transform_2, window_bounds = array<i64: 1, 1, 256>}, {transform_indices = @transform_3, window_bounds = array<i64: 1, 1, 4096>}, {transform_indices = @transform_4, window_bounds = array<i64: 1, 1, 4096>}, {transform_indices = @transform_5, window_bounds = array<i64: 1, 1, 4096>}, {transform_indices = @transform_6, window_bounds = array<i64: 1, 256, 16>}]} {
    %get3A = arith.constant 0 : index
    %get3A_0 = arith.constant 0 : index
    %get3A_1 = arith.constant 0 : index
    %get3A_2 = vector.load %arg2[%get3A, %get3A_0, %get3A_1] : memref<1x1x256xf32, #tpu.memory_space<vmem>>, vector<1x1x256xf32>
    %reshape3A = vector.shape_cast %get3A_2 : vector<1x1x256xf32> to vector<1x256xf32>
    %broadcast_in_dim3A = vector.shape_cast %reshape3A : vector<1x256xf32> to vector<1x256xf32>
    %broadcast_in_dim3A_3 = vector.broadcast %broadcast_in_dim3A : vector<1x256xf32> to vector<256x256xf32>
    %iota3A = tpu.iota {dimensions = array<i32: 0>} : vector<256x256xi32>
    %iota3A_4 = tpu.iota {dimensions = array<i32: 1>} : vector<256x256xi32>
    %eq3A = arith.cmpi eq, %iota3A, %iota3A_4 : vector<256x256xi32>
    %broadcast_in_dim3A_5 = arith.constant 0.000000e+00 : f32
    %broadcast_in_dim3A_6 = vector.broadcast %broadcast_in_dim3A_5 : f32 to vector<256x256xf32>
    %select_n3A = arith.select %eq3A, %broadcast_in_dim3A_3, %broadcast_in_dim3A_6 : vector<256x256xi1>, vector<256x256xf32>
    %reduce_sum3A = arith.constant dense<0.000000e+00> : vector<256xf32>
    %reduce_sum3A_7 = vector.multi_reduction <add>, %select_n3A, %reduce_sum3A [1] : vector<256x256xf32> to vector<256xf32>
    %broadcast_in_dim3A_8 = vector.shape_cast %reduce_sum3A_7 : vector<256xf32> to vector<256x1xf32>
    %get3A_9 = arith.constant 0 : index
    %get3A_10 = arith.constant 0 : index
    %get3A_11 = arith.constant 0 : index
    %get3A_12 = vector.load %arg3[%get3A_9, %get3A_10, %get3A_11] : memref<1x1x256xf32, #tpu.memory_space<vmem>>, vector<1x1x256xf32>
    %reshape3A_13 = vector.shape_cast %get3A_12 : vector<1x1x256xf32> to vector<1x256xf32>
    %broadcast_in_dim3A_14 = vector.shape_cast %reshape3A_13 : vector<1x256xf32> to vector<1x256xf32>
    %broadcast_in_dim3A_15 = vector.broadcast %broadcast_in_dim3A_14 : vector<1x256xf32> to vector<256x256xf32>
    %iota3A_16 = tpu.iota {dimensions = array<i32: 0>} : vector<256x256xi32>
    %iota3A_17 = tpu.iota {dimensions = array<i32: 1>} : vector<256x256xi32>
    %eq3A_18 = arith.cmpi eq, %iota3A_16, %iota3A_17 : vector<256x256xi32>
    %broadcast_in_dim3A_19 = arith.constant 0.000000e+00 : f32
    %broadcast_in_dim3A_20 = vector.broadcast %broadcast_in_dim3A_19 : f32 to vector<256x256xf32>
    %select_n3A_21 = arith.select %eq3A_18, %broadcast_in_dim3A_15, %broadcast_in_dim3A_20 : vector<256x256xi1>, vector<256x256xf32>
    %reduce_sum3A_22 = arith.constant dense<0.000000e+00> : vector<256xf32>
    %reduce_sum3A_23 = vector.multi_reduction <add>, %select_n3A_21, %reduce_sum3A_22 [1] : vector<256x256xf32> to vector<256xf32>
    %broadcast_in_dim3A_24 = vector.shape_cast %reduce_sum3A_23 : vector<256xf32> to vector<256x1xf32>
    %get3A_25 = arith.constant 0 : index
    %get3A_26 = arith.constant 0 : index
    %get3A_27 = arith.constant 0 : index
    %get3A_28 = vector.load %arg4[%get3A_25, %get3A_26, %get3A_27] : memref<1x1x256xf32, #tpu.memory_space<vmem>>, vector<1x1x256xf32>
    %reshape3A_29 = vector.shape_cast %get3A_28 : vector<1x1x256xf32> to vector<1x256xf32>
    %broadcast_in_dim3A_30 = vector.shape_cast %reshape3A_29 : vector<1x256xf32> to vector<1x256xf32>
    %broadcast_in_dim3A_31 = vector.broadcast %broadcast_in_dim3A_30 : vector<1x256xf32> to vector<256x256xf32>
    %iota3A_32 = tpu.iota {dimensions = array<i32: 0>} : vector<256x256xi32>
    %iota3A_33 = tpu.iota {dimensions = array<i32: 1>} : vector<256x256xi32>
    %eq3A_34 = arith.cmpi eq, %iota3A_32, %iota3A_33 : vector<256x256xi32>
    %broadcast_in_dim3A_35 = arith.constant 0.000000e+00 : f32
    %broadcast_in_dim3A_36 = vector.broadcast %broadcast_in_dim3A_35 : f32 to vector<256x256xf32>
    %select_n3A_37 = arith.select %eq3A_34, %broadcast_in_dim3A_31, %broadcast_in_dim3A_36 : vector<256x256xi1>, vector<256x256xf32>
    %reduce_sum3A_38 = arith.constant dense<0.000000e+00> : vector<256xf32>
    %reduce_sum3A_39 = vector.multi_reduction <add>, %select_n3A_37, %reduce_sum3A_38 [1] : vector<256x256xf32> to vector<256xf32>
    %broadcast_in_dim3A_40 = vector.shape_cast %reduce_sum3A_39 : vector<256xf32> to vector<256x1xf32>
    %get3A_41 = arith.constant 0 : index
    %get3A_42 = arith.constant 0 : index
    %get3A_43 = arith.constant 0 : index
    %get3A_44 = vector.load %arg5[%get3A_41, %get3A_42, %get3A_43] : memref<1x1x4096xf32, #tpu.memory_space<vmem>>, vector<1x1x4096xf32>
    %reshape3A_45 = vector.shape_cast %get3A_44 : vector<1x1x4096xf32> to vector<1x4096xf32>
    %sub3A = vector.broadcast %broadcast_in_dim3A_8 : vector<256x1xf32> to vector<256x4096xf32>
    %sub3A_46 = vector.broadcast %reshape3A_45 : vector<1x4096xf32> to vector<256x4096xf32>
    %sub3A_47 = arith.subf %sub3A, %sub3A_46 : vector<256x4096xf32>
    %get3A_48 = arith.constant 0 : index
    %get3A_49 = arith.constant 0 : index
    %get3A_50 = arith.constant 0 : index
    %get3A_51 = vector.load %arg6[%get3A_48, %get3A_49, %get3A_50] : memref<1x1x4096xf32, #tpu.memory_space<vmem>>, vector<1x1x4096xf32>
    %reshape3A_52 = vector.shape_cast %get3A_51 : vector<1x1x4096xf32> to vector<1x4096xf32>
    %sub3A_53 = vector.broadcast %broadcast_in_dim3A_24 : vector<256x1xf32> to vector<256x4096xf32>
    %sub3A_54 = vector.broadcast %reshape3A_52 : vector<1x4096xf32> to vector<256x4096xf32>
    %sub3A_55 = arith.subf %sub3A_53, %sub3A_54 : vector<256x4096xf32>
    %get3A_56 = arith.constant 0 : index
    %get3A_57 = arith.constant 0 : index
    %get3A_58 = arith.constant 0 : index
    %get3A_59 = vector.load %arg7[%get3A_56, %get3A_57, %get3A_58] : memref<1x1x4096xf32, #tpu.memory_space<vmem>>, vector<1x1x4096xf32>
    %reshape3A_60 = vector.shape_cast %get3A_59 : vector<1x1x4096xf32> to vector<1x4096xf32>
    %sub3A_61 = vector.broadcast %broadcast_in_dim3A_40 : vector<256x1xf32> to vector<256x4096xf32>
    %sub3A_62 = vector.broadcast %reshape3A_60 : vector<1x4096xf32> to vector<256x4096xf32>
    %sub3A_63 = arith.subf %sub3A_61, %sub3A_62 : vector<256x4096xf32>
    %mul3A = arith.mulf %sub3A_47, %sub3A_47 : vector<256x4096xf32>
    %mul3A_64 = arith.mulf %sub3A_55, %sub3A_55 : vector<256x4096xf32>
    %add3A = arith.addf %mul3A, %mul3A_64 : vector<256x4096xf32>
    %mul3A_65 = arith.mulf %sub3A_63, %sub3A_63 : vector<256x4096xf32>
    %add3A_66 = arith.addf %add3A, %mul3A_65 : vector<256x4096xf32>
    %iota3A_67 = tpu.iota {dimensions = array<i32: 1>} : vector<256x4096xi32>
    %reduce_min3A = arith.constant dense<0x7F800000> : vector<256xf32>
    %reduce_min3A_68 = vector.multi_reduction <minimumf>, %add3A_66, %reduce_min3A [1] : vector<256x4096xf32> to vector<256xf32>
    %broadcast_in_dim3A_69 = vector.shape_cast %reduce_min3A_68 : vector<256xf32> to vector<256x1xf32>
    %eq3A_70 = vector.broadcast %broadcast_in_dim3A_69 : vector<256x1xf32> to vector<256x4096xf32>
    %eq3A_71 = arith.cmpf oeq, %add3A_66, %eq3A_70 : vector<256x4096xf32>
    %jit3A = arith.constant 4096 : i32
    %broadcast_in_dim3A_72 = vector.broadcast %jit3A : i32 to vector<256x4096xi32>
    %select_n3A_73 = arith.select %eq3A_71, %iota3A_67, %broadcast_in_dim3A_72 : vector<256x4096xi1>, vector<256x4096xi32>
    %reduce_min3A_74 = arith.constant dense<2147483647> : vector<256xi32>
    %reduce_min3A_75 = vector.multi_reduction <minsi>, %select_n3A_73, %reduce_min3A_74 [1] : vector<256x4096xi32> to vector<256xi32>
    %broadcast_in_dim3A_76 = vector.shape_cast %reduce_min3A_75 : vector<256xi32> to vector<256x1xi32>
    %eq3A_77 = vector.broadcast %broadcast_in_dim3A_76 : vector<256x1xi32> to vector<256x4096xi32>
    %eq3A_78 = arith.cmpi eq, %iota3A_67, %eq3A_77 : vector<256x4096xi32>
    %jit3A_79 = arith.constant 0x7F800000 : f32
    %broadcast_in_dim3A_80 = vector.broadcast %jit3A_79 : f32 to vector<256x4096xf32>
    %select_n3A_81 = arith.select %eq3A_78, %broadcast_in_dim3A_80, %add3A_66 : vector<256x4096xi1>, vector<256x4096xf32>
    %reduce_min3A_82 = arith.constant dense<0x7F800000> : vector<256xf32>
    %reduce_min3A_83 = vector.multi_reduction <minimumf>, %select_n3A_81, %reduce_min3A_82 [1] : vector<256x4096xf32> to vector<256xf32>
    %broadcast_in_dim3A_84 = vector.shape_cast %reduce_min3A_83 : vector<256xf32> to vector<256x1xf32>
    %eq3A_85 = vector.broadcast %broadcast_in_dim3A_84 : vector<256x1xf32> to vector<256x4096xf32>
    %eq3A_86 = arith.cmpf oeq, %select_n3A_81, %eq3A_85 : vector<256x4096xf32>
    %jit3A_87 = arith.constant 4096 : i32
    %broadcast_in_dim3A_88 = vector.broadcast %jit3A_87 : i32 to vector<256x4096xi32>
    %select_n3A_89 = arith.select %eq3A_86, %iota3A_67, %broadcast_in_dim3A_88 : vector<256x4096xi1>, vector<256x4096xi32>
    %reduce_min3A_90 = arith.constant dense<2147483647> : vector<256xi32>
    %reduce_min3A_91 = vector.multi_reduction <minsi>, %select_n3A_89, %reduce_min3A_90 [1] : vector<256x4096xi32> to vector<256xi32>
    %broadcast_in_dim3A_92 = vector.shape_cast %reduce_min3A_91 : vector<256xi32> to vector<256x1xi32>
    %eq3A_93 = vector.broadcast %broadcast_in_dim3A_92 : vector<256x1xi32> to vector<256x4096xi32>
    %eq3A_94 = arith.cmpi eq, %iota3A_67, %eq3A_93 : vector<256x4096xi32>
    %jit3A_95 = arith.constant 0x7F800000 : f32
    %broadcast_in_dim3A_96 = vector.broadcast %jit3A_95 : f32 to vector<256x4096xf32>
    %select_n3A_97 = arith.select %eq3A_94, %broadcast_in_dim3A_96, %select_n3A_81 : vector<256x4096xi1>, vector<256x4096xf32>
    %reduce_min3A_98 = arith.constant dense<0x7F800000> : vector<256xf32>
    %reduce_min3A_99 = vector.multi_reduction <minimumf>, %select_n3A_97, %reduce_min3A_98 [1] : vector<256x4096xf32> to vector<256xf32>
    %broadcast_in_dim3A_100 = vector.shape_cast %reduce_min3A_99 : vector<256xf32> to vector<256x1xf32>
    %eq3A_101 = vector.broadcast %broadcast_in_dim3A_100 : vector<256x1xf32> to vector<256x4096xf32>
    %eq3A_102 = arith.cmpf oeq, %select_n3A_97, %eq3A_101 : vector<256x4096xf32>
    %jit3A_103 = arith.constant 4096 : i32
    %broadcast_in_dim3A_104 = vector.broadcast %jit3A_103 : i32 to vector<256x4096xi32>
    %select_n3A_105 = arith.select %eq3A_102, %iota3A_67, %broadcast_in_dim3A_104 : vector<256x4096xi1>, vector<256x4096xi32>
    %reduce_min3A_106 = arith.constant dense<2147483647> : vector<256xi32>
    %reduce_min3A_107 = vector.multi_reduction <minsi>, %select_n3A_105, %reduce_min3A_106 [1] : vector<256x4096xi32> to vector<256xi32>
    %broadcast_in_dim3A_108 = vector.shape_cast %reduce_min3A_107 : vector<256xi32> to vector<256x1xi32>
    %eq3A_109 = vector.broadcast %broadcast_in_dim3A_108 : vector<256x1xi32> to vector<256x4096xi32>
    %eq3A_110 = arith.cmpi eq, %iota3A_67, %eq3A_109 : vector<256x4096xi32>
    %jit3A_111 = arith.constant 0x7F800000 : f32
    %broadcast_in_dim3A_112 = vector.broadcast %jit3A_111 : f32 to vector<256x4096xf32>
    %select_n3A_113 = arith.select %eq3A_110, %broadcast_in_dim3A_112, %select_n3A_97 : vector<256x4096xi1>, vector<256x4096xf32>
    %reduce_min3A_114 = arith.constant dense<0x7F800000> : vector<256xf32>
    %reduce_min3A_115 = vector.multi_reduction <minimumf>, %select_n3A_113, %reduce_min3A_114 [1] : vector<256x4096xf32> to vector<256xf32>
    %broadcast_in_dim3A_116 = vector.shape_cast %reduce_min3A_115 : vector<256xf32> to vector<256x1xf32>
    %eq3A_117 = vector.broadcast %broadcast_in_dim3A_116 : vector<256x1xf32> to vector<256x4096xf32>
    %eq3A_118 = arith.cmpf oeq, %select_n3A_113, %eq3A_117 : vector<256x4096xf32>
    %jit3A_119 = arith.constant 4096 : i32
    %broadcast_in_dim3A_120 = vector.broadcast %jit3A_119 : i32 to vector<256x4096xi32>
    %select_n3A_121 = arith.select %eq3A_118, %iota3A_67, %broadcast_in_dim3A_120 : vector<256x4096xi1>, vector<256x4096xi32>
    %reduce_min3A_122 = arith.constant dense<2147483647> : vector<256xi32>
    %reduce_min3A_123 = vector.multi_reduction <minsi>, %select_n3A_121, %reduce_min3A_122 [1] : vector<256x4096xi32> to vector<256xi32>
    %broadcast_in_dim3A_124 = vector.shape_cast %reduce_min3A_123 : vector<256xi32> to vector<256x1xi32>
    %eq3A_125 = vector.broadcast %broadcast_in_dim3A_124 : vector<256x1xi32> to vector<256x4096xi32>
    %eq3A_126 = arith.cmpi eq, %iota3A_67, %eq3A_125 : vector<256x4096xi32>
    %jit3A_127 = arith.constant 0x7F800000 : f32
    %broadcast_in_dim3A_128 = vector.broadcast %jit3A_127 : f32 to vector<256x4096xf32>
    %select_n3A_129 = arith.select %eq3A_126, %broadcast_in_dim3A_128, %select_n3A_113 : vector<256x4096xi1>, vector<256x4096xf32>
    %reduce_min3A_130 = arith.constant dense<0x7F800000> : vector<256xf32>
    %reduce_min3A_131 = vector.multi_reduction <minimumf>, %select_n3A_129, %reduce_min3A_130 [1] : vector<256x4096xf32> to vector<256xf32>
    %broadcast_in_dim3A_132 = vector.shape_cast %reduce_min3A_131 : vector<256xf32> to vector<256x1xf32>
    %eq3A_133 = vector.broadcast %broadcast_in_dim3A_132 : vector<256x1xf32> to vector<256x4096xf32>
    %eq3A_134 = arith.cmpf oeq, %select_n3A_129, %eq3A_133 : vector<256x4096xf32>
    %jit3A_135 = arith.constant 4096 : i32
    %broadcast_in_dim3A_136 = vector.broadcast %jit3A_135 : i32 to vector<256x4096xi32>
    %select_n3A_137 = arith.select %eq3A_134, %iota3A_67, %broadcast_in_dim3A_136 : vector<256x4096xi1>, vector<256x4096xi32>
    %reduce_min3A_138 = arith.constant dense<2147483647> : vector<256xi32>
    %reduce_min3A_139 = vector.multi_reduction <minsi>, %select_n3A_137, %reduce_min3A_138 [1] : vector<256x4096xi32> to vector<256xi32>
    %broadcast_in_dim3A_140 = vector.shape_cast %reduce_min3A_139 : vector<256xi32> to vector<256x1xi32>
    %eq3A_141 = vector.broadcast %broadcast_in_dim3A_140 : vector<256x1xi32> to vector<256x4096xi32>
    %eq3A_142 = arith.cmpi eq, %iota3A_67, %eq3A_141 : vector<256x4096xi32>
    %jit3A_143 = arith.constant 0x7F800000 : f32
    %broadcast_in_dim3A_144 = vector.broadcast %jit3A_143 : f32 to vector<256x4096xf32>
    %select_n3A_145 = arith.select %eq3A_142, %broadcast_in_dim3A_144, %select_n3A_129 : vector<256x4096xi1>, vector<256x4096xf32>
    %reduce_min3A_146 = arith.constant dense<0x7F800000> : vector<256xf32>
    %reduce_min3A_147 = vector.multi_reduction <minimumf>, %select_n3A_145, %reduce_min3A_146 [1] : vector<256x4096xf32> to vector<256xf32>
    %broadcast_in_dim3A_148 = vector.shape_cast %reduce_min3A_147 : vector<256xf32> to vector<256x1xf32>
    %eq3A_149 = vector.broadcast %broadcast_in_dim3A_148 : vector<256x1xf32> to vector<256x4096xf32>
    %eq3A_150 = arith.cmpf oeq, %select_n3A_145, %eq3A_149 : vector<256x4096xf32>
    %jit3A_151 = arith.constant 4096 : i32
    %broadcast_in_dim3A_152 = vector.broadcast %jit3A_151 : i32 to vector<256x4096xi32>
    %select_n3A_153 = arith.select %eq3A_150, %iota3A_67, %broadcast_in_dim3A_152 : vector<256x4096xi1>, vector<256x4096xi32>
    %reduce_min3A_154 = arith.constant dense<2147483647> : vector<256xi32>
    %reduce_min3A_155 = vector.multi_reduction <minsi>, %select_n3A_153, %reduce_min3A_154 [1] : vector<256x4096xi32> to vector<256xi32>
    %broadcast_in_dim3A_156 = vector.shape_cast %reduce_min3A_155 : vector<256xi32> to vector<256x1xi32>
    %eq3A_157 = vector.broadcast %broadcast_in_dim3A_156 : vector<256x1xi32> to vector<256x4096xi32>
    %eq3A_158 = arith.cmpi eq, %iota3A_67, %eq3A_157 : vector<256x4096xi32>
    %jit3A_159 = arith.constant 0x7F800000 : f32
    %broadcast_in_dim3A_160 = vector.broadcast %jit3A_159 : f32 to vector<256x4096xf32>
    %select_n3A_161 = arith.select %eq3A_158, %broadcast_in_dim3A_160, %select_n3A_145 : vector<256x4096xi1>, vector<256x4096xf32>
    %reduce_min3A_162 = arith.constant dense<0x7F800000> : vector<256xf32>
    %reduce_min3A_163 = vector.multi_reduction <minimumf>, %select_n3A_161, %reduce_min3A_162 [1] : vector<256x4096xf32> to vector<256xf32>
    %broadcast_in_dim3A_164 = vector.shape_cast %reduce_min3A_163 : vector<256xf32> to vector<256x1xf32>
    %eq3A_165 = vector.broadcast %broadcast_in_dim3A_164 : vector<256x1xf32> to vector<256x4096xf32>
    %eq3A_166 = arith.cmpf oeq, %select_n3A_161, %eq3A_165 : vector<256x4096xf32>
    %jit3A_167 = arith.constant 4096 : i32
    %broadcast_in_dim3A_168 = vector.broadcast %jit3A_167 : i32 to vector<256x4096xi32>
    %select_n3A_169 = arith.select %eq3A_166, %iota3A_67, %broadcast_in_dim3A_168 : vector<256x4096xi1>, vector<256x4096xi32>
    %reduce_min3A_170 = arith.constant dense<2147483647> : vector<256xi32>
    %reduce_min3A_171 = vector.multi_reduction <minsi>, %select_n3A_169, %reduce_min3A_170 [1] : vector<256x4096xi32> to vector<256xi32>
    %broadcast_in_dim3A_172 = vector.shape_cast %reduce_min3A_171 : vector<256xi32> to vector<256x1xi32>
    %eq3A_173 = vector.broadcast %broadcast_in_dim3A_172 : vector<256x1xi32> to vector<256x4096xi32>
    %eq3A_174 = arith.cmpi eq, %iota3A_67, %eq3A_173 : vector<256x4096xi32>
    %jit3A_175 = arith.constant 0x7F800000 : f32
    %broadcast_in_dim3A_176 = vector.broadcast %jit3A_175 : f32 to vector<256x4096xf32>
    %select_n3A_177 = arith.select %eq3A_174, %broadcast_in_dim3A_176, %select_n3A_161 : vector<256x4096xi1>, vector<256x4096xf32>
    %reduce_min3A_178 = arith.constant dense<0x7F800000> : vector<256xf32>
    %reduce_min3A_179 = vector.multi_reduction <minimumf>, %select_n3A_177, %reduce_min3A_178 [1] : vector<256x4096xf32> to vector<256xf32>
    %broadcast_in_dim3A_180 = vector.shape_cast %reduce_min3A_179 : vector<256xf32> to vector<256x1xf32>
    %eq3A_181 = vector.broadcast %broadcast_in_dim3A_180 : vector<256x1xf32> to vector<256x4096xf32>
    %eq3A_182 = arith.cmpf oeq, %select_n3A_177, %eq3A_181 : vector<256x4096xf32>
    %jit3A_183 = arith.constant 4096 : i32
    %broadcast_in_dim3A_184 = vector.broadcast %jit3A_183 : i32 to vector<256x4096xi32>
    %select_n3A_185 = arith.select %eq3A_182, %iota3A_67, %broadcast_in_dim3A_184 : vector<256x4096xi1>, vector<256x4096xi32>
    %reduce_min3A_186 = arith.constant dense<2147483647> : vector<256xi32>
    %reduce_min3A_187 = vector.multi_reduction <minsi>, %select_n3A_185, %reduce_min3A_186 [1] : vector<256x4096xi32> to vector<256xi32>
    %broadcast_in_dim3A_188 = vector.shape_cast %reduce_min3A_187 : vector<256xi32> to vector<256x1xi32>
    %eq3A_189 = vector.broadcast %broadcast_in_dim3A_188 : vector<256x1xi32> to vector<256x4096xi32>
    %eq3A_190 = arith.cmpi eq, %iota3A_67, %eq3A_189 : vector<256x4096xi32>
    %jit3A_191 = arith.constant 0x7F800000 : f32
    %broadcast_in_dim3A_192 = vector.broadcast %jit3A_191 : f32 to vector<256x4096xf32>
    %select_n3A_193 = arith.select %eq3A_190, %broadcast_in_dim3A_192, %select_n3A_177 : vector<256x4096xi1>, vector<256x4096xf32>
    %reduce_min3A_194 = arith.constant dense<0x7F800000> : vector<256xf32>
    %reduce_min3A_195 = vector.multi_reduction <minimumf>, %select_n3A_193, %reduce_min3A_194 [1] : vector<256x4096xf32> to vector<256xf32>
    %broadcast_in_dim3A_196 = vector.shape_cast %reduce_min3A_195 : vector<256xf32> to vector<256x1xf32>
    %eq3A_197 = vector.broadcast %broadcast_in_dim3A_196 : vector<256x1xf32> to vector<256x4096xf32>
    %eq3A_198 = arith.cmpf oeq, %select_n3A_193, %eq3A_197 : vector<256x4096xf32>
    %jit3A_199 = arith.constant 4096 : i32
    %broadcast_in_dim3A_200 = vector.broadcast %jit3A_199 : i32 to vector<256x4096xi32>
    %select_n3A_201 = arith.select %eq3A_198, %iota3A_67, %broadcast_in_dim3A_200 : vector<256x4096xi1>, vector<256x4096xi32>
    %reduce_min3A_202 = arith.constant dense<2147483647> : vector<256xi32>
    %reduce_min3A_203 = vector.multi_reduction <minsi>, %select_n3A_201, %reduce_min3A_202 [1] : vector<256x4096xi32> to vector<256xi32>
    %broadcast_in_dim3A_204 = vector.shape_cast %reduce_min3A_203 : vector<256xi32> to vector<256x1xi32>
    %eq3A_205 = vector.broadcast %broadcast_in_dim3A_204 : vector<256x1xi32> to vector<256x4096xi32>
    %eq3A_206 = arith.cmpi eq, %iota3A_67, %eq3A_205 : vector<256x4096xi32>
    %jit3A_207 = arith.constant 0x7F800000 : f32
    %broadcast_in_dim3A_208 = vector.broadcast %jit3A_207 : f32 to vector<256x4096xf32>
    %select_n3A_209 = arith.select %eq3A_206, %broadcast_in_dim3A_208, %select_n3A_193 : vector<256x4096xi1>, vector<256x4096xf32>
    %reduce_min3A_210 = arith.constant dense<0x7F800000> : vector<256xf32>
    %reduce_min3A_211 = vector.multi_reduction <minimumf>, %select_n3A_209, %reduce_min3A_210 [1] : vector<256x4096xf32> to vector<256xf32>
    %broadcast_in_dim3A_212 = vector.shape_cast %reduce_min3A_211 : vector<256xf32> to vector<256x1xf32>
    %eq3A_213 = vector.broadcast %broadcast_in_dim3A_212 : vector<256x1xf32> to vector<256x4096xf32>
    %eq3A_214 = arith.cmpf oeq, %select_n3A_209, %eq3A_213 : vector<256x4096xf32>
    %jit3A_215 = arith.constant 4096 : i32
    %broadcast_in_dim3A_216 = vector.broadcast %jit3A_215 : i32 to vector<256x4096xi32>
    %select_n3A_217 = arith.select %eq3A_214, %iota3A_67, %broadcast_in_dim3A_216 : vector<256x4096xi1>, vector<256x4096xi32>
    %reduce_min3A_218 = arith.constant dense<2147483647> : vector<256xi32>
    %reduce_min3A_219 = vector.multi_reduction <minsi>, %select_n3A_217, %reduce_min3A_218 [1] : vector<256x4096xi32> to vector<256xi32>
    %broadcast_in_dim3A_220 = vector.shape_cast %reduce_min3A_219 : vector<256xi32> to vector<256x1xi32>
    %eq3A_221 = vector.broadcast %broadcast_in_dim3A_220 : vector<256x1xi32> to vector<256x4096xi32>
    %eq3A_222 = arith.cmpi eq, %iota3A_67, %eq3A_221 : vector<256x4096xi32>
    %jit3A_223 = arith.constant 0x7F800000 : f32
    %broadcast_in_dim3A_224 = vector.broadcast %jit3A_223 : f32 to vector<256x4096xf32>
    %select_n3A_225 = arith.select %eq3A_222, %broadcast_in_dim3A_224, %select_n3A_209 : vector<256x4096xi1>, vector<256x4096xf32>
    %reduce_min3A_226 = arith.constant dense<0x7F800000> : vector<256xf32>
    %reduce_min3A_227 = vector.multi_reduction <minimumf>, %select_n3A_225, %reduce_min3A_226 [1] : vector<256x4096xf32> to vector<256xf32>
    %broadcast_in_dim3A_228 = vector.shape_cast %reduce_min3A_227 : vector<256xf32> to vector<256x1xf32>
    %eq3A_229 = vector.broadcast %broadcast_in_dim3A_228 : vector<256x1xf32> to vector<256x4096xf32>
    %eq3A_230 = arith.cmpf oeq, %select_n3A_225, %eq3A_229 : vector<256x4096xf32>
    %jit3A_231 = arith.constant 4096 : i32
    %broadcast_in_dim3A_232 = vector.broadcast %jit3A_231 : i32 to vector<256x4096xi32>
    %select_n3A_233 = arith.select %eq3A_230, %iota3A_67, %broadcast_in_dim3A_232 : vector<256x4096xi1>, vector<256x4096xi32>
    %reduce_min3A_234 = arith.constant dense<2147483647> : vector<256xi32>
    %reduce_min3A_235 = vector.multi_reduction <minsi>, %select_n3A_233, %reduce_min3A_234 [1] : vector<256x4096xi32> to vector<256xi32>
    %broadcast_in_dim3A_236 = vector.shape_cast %reduce_min3A_235 : vector<256xi32> to vector<256x1xi32>
    %eq3A_237 = vector.broadcast %broadcast_in_dim3A_236 : vector<256x1xi32> to vector<256x4096xi32>
    %eq3A_238 = arith.cmpi eq, %iota3A_67, %eq3A_237 : vector<256x4096xi32>
    %jit3A_239 = arith.constant 0x7F800000 : f32
    %broadcast_in_dim3A_240 = vector.broadcast %jit3A_239 : f32 to vector<256x4096xf32>
    %select_n3A_241 = arith.select %eq3A_238, %broadcast_in_dim3A_240, %select_n3A_225 : vector<256x4096xi1>, vector<256x4096xf32>
    %reduce_min3A_242 = arith.constant dense<0x7F800000> : vector<256xf32>
    %reduce_min3A_243 = vector.multi_reduction <minimumf>, %select_n3A_241, %reduce_min3A_242 [1] : vector<256x4096xf32> to vector<256xf32>
    %broadcast_in_dim3A_244 = vector.shape_cast %reduce_min3A_243 : vector<256xf32> to vector<256x1xf32>
    %eq3A_245 = vector.broadcast %broadcast_in_dim3A_244 : vector<256x1xf32> to vector<256x4096xf32>
    %eq3A_246 = arith.cmpf oeq, %select_n3A_241, %eq3A_245 : vector<256x4096xf32>
    %jit3A_247 = arith.constant 4096 : i32
    %broadcast_in_dim3A_248 = vector.broadcast %jit3A_247 : i32 to vector<256x4096xi32>
    %select_n3A_249 = arith.select %eq3A_246, %iota3A_67, %broadcast_in_dim3A_248 : vector<256x4096xi1>, vector<256x4096xi32>
    %reduce_min3A_250 = arith.constant dense<2147483647> : vector<256xi32>
    %reduce_min3A_251 = vector.multi_reduction <minsi>, %select_n3A_249, %reduce_min3A_250 [1] : vector<256x4096xi32> to vector<256xi32>
    %broadcast_in_dim3A_252 = vector.shape_cast %reduce_min3A_251 : vector<256xi32> to vector<256x1xi32>
    %eq3A_253 = vector.broadcast %broadcast_in_dim3A_252 : vector<256x1xi32> to vector<256x4096xi32>
    %eq3A_254 = arith.cmpi eq, %iota3A_67, %eq3A_253 : vector<256x4096xi32>
    %jit3A_255 = arith.constant 0x7F800000 : f32
    %broadcast_in_dim3A_256 = vector.broadcast %jit3A_255 : f32 to vector<256x4096xf32>
    %select_n3A_257 = arith.select %eq3A_254, %broadcast_in_dim3A_256, %select_n3A_241 : vector<256x4096xi1>, vector<256x4096xf32>
    %reduce_min3A_258 = arith.constant dense<0x7F800000> : vector<256xf32>
    %reduce_min3A_259 = vector.multi_reduction <minimumf>, %select_n3A_257, %reduce_min3A_258 [1] : vector<256x4096xf32> to vector<256xf32>
    %broadcast_in_dim3A_260 = vector.shape_cast %reduce_min3A_259 : vector<256xf32> to vector<256x1xf32>
    %eq3A_261 = vector.broadcast %broadcast_in_dim3A_260 : vector<256x1xf32> to vector<256x4096xf32>
    %eq3A_262 = arith.cmpf oeq, %select_n3A_257, %eq3A_261 : vector<256x4096xf32>
    %jit3A_263 = arith.constant 4096 : i32
    %broadcast_in_dim3A_264 = vector.broadcast %jit3A_263 : i32 to vector<256x4096xi32>
    %select_n3A_265 = arith.select %eq3A_262, %iota3A_67, %broadcast_in_dim3A_264 : vector<256x4096xi1>, vector<256x4096xi32>
    %reduce_min3A_266 = arith.constant dense<2147483647> : vector<256xi32>
    %reduce_min3A_267 = vector.multi_reduction <minsi>, %select_n3A_265, %reduce_min3A_266 [1] : vector<256x4096xi32> to vector<256xi32>
    %broadcast_in_dim3A_268 = vector.shape_cast %reduce_min3A_267 : vector<256xi32> to vector<256x1xi32>
    %eq3A_269 = vector.broadcast %broadcast_in_dim3A_268 : vector<256x1xi32> to vector<256x4096xi32>
    %eq3A_270 = arith.cmpi eq, %iota3A_67, %eq3A_269 : vector<256x4096xi32>
    %jit3A_271 = arith.constant 0x7F800000 : f32
    %broadcast_in_dim3A_272 = vector.broadcast %jit3A_271 : f32 to vector<256x4096xf32>
    %select_n3A_273 = arith.select %eq3A_270, %broadcast_in_dim3A_272, %select_n3A_257 : vector<256x4096xi1>, vector<256x4096xf32>
    %reduce_min3A_274 = arith.constant dense<0x7F800000> : vector<256xf32>
    %reduce_min3A_275 = vector.multi_reduction <minimumf>, %select_n3A_273, %reduce_min3A_274 [1] : vector<256x4096xf32> to vector<256xf32>
    %broadcast_in_dim3A_276 = vector.shape_cast %reduce_min3A_275 : vector<256xf32> to vector<256x1xf32>
    %eq3A_277 = vector.broadcast %broadcast_in_dim3A_276 : vector<256x1xf32> to vector<256x4096xf32>
    %eq3A_278 = arith.cmpf oeq, %select_n3A_273, %eq3A_277 : vector<256x4096xf32>
    %jit3A_279 = arith.constant 4096 : i32
    %broadcast_in_dim3A_280 = vector.broadcast %jit3A_279 : i32 to vector<256x4096xi32>
    %select_n3A_281 = arith.select %eq3A_278, %iota3A_67, %broadcast_in_dim3A_280 : vector<256x4096xi1>, vector<256x4096xi32>
    %reduce_min3A_282 = arith.constant dense<2147483647> : vector<256xi32>
    %reduce_min3A_283 = vector.multi_reduction <minsi>, %select_n3A_281, %reduce_min3A_282 [1] : vector<256x4096xi32> to vector<256xi32>
    %broadcast_in_dim3A_284 = vector.shape_cast %reduce_min3A_283 : vector<256xi32> to vector<256x1xi32>
    %eq3A_285 = vector.broadcast %broadcast_in_dim3A_284 : vector<256x1xi32> to vector<256x4096xi32>
    %eq3A_286 = arith.cmpi eq, %iota3A_67, %eq3A_285 : vector<256x4096xi32>
    %jit3A_287 = arith.constant 0x7F800000 : f32
    %broadcast_in_dim3A_288 = vector.broadcast %jit3A_287 : f32 to vector<256x4096xf32>
    %select_n3A_289 = arith.select %eq3A_286, %broadcast_in_dim3A_288, %select_n3A_273 : vector<256x4096xi1>, vector<256x4096xf32>
    %reduce_min3A_290 = arith.constant dense<0x7F800000> : vector<256xf32>
    %reduce_min3A_291 = vector.multi_reduction <minimumf>, %select_n3A_289, %reduce_min3A_290 [1] : vector<256x4096xf32> to vector<256xf32>
    %broadcast_in_dim3A_292 = vector.shape_cast %reduce_min3A_291 : vector<256xf32> to vector<256x1xf32>
    %eq3A_293 = vector.broadcast %broadcast_in_dim3A_292 : vector<256x1xf32> to vector<256x4096xf32>
    %eq3A_294 = arith.cmpf oeq, %select_n3A_289, %eq3A_293 : vector<256x4096xf32>
    %jit3A_295 = arith.constant 4096 : i32
    %broadcast_in_dim3A_296 = vector.broadcast %jit3A_295 : i32 to vector<256x4096xi32>
    %select_n3A_297 = arith.select %eq3A_294, %iota3A_67, %broadcast_in_dim3A_296 : vector<256x4096xi1>, vector<256x4096xi32>
    %reduce_min3A_298 = arith.constant dense<2147483647> : vector<256xi32>
    %reduce_min3A_299 = vector.multi_reduction <minsi>, %select_n3A_297, %reduce_min3A_298 [1] : vector<256x4096xi32> to vector<256xi32>
    %broadcast_in_dim3A_300 = vector.shape_cast %reduce_min3A_299 : vector<256xi32> to vector<256x1xi32>
    %eq3A_301 = vector.broadcast %broadcast_in_dim3A_300 : vector<256x1xi32> to vector<256x4096xi32>
    %eq3A_302 = arith.cmpi eq, %iota3A_67, %eq3A_301 : vector<256x4096xi32>
    %jit3A_303 = arith.constant 0x7F800000 : f32
    %broadcast_in_dim3A_304 = vector.broadcast %jit3A_303 : f32 to vector<256x4096xf32>
    %select_n3A_305 = arith.select %eq3A_302, %broadcast_in_dim3A_304, %select_n3A_289 : vector<256x4096xi1>, vector<256x4096xf32>
    %reduce_min3A_306 = arith.constant dense<0x7F800000> : vector<256xf32>
    %reduce_min3A_307 = vector.multi_reduction <minimumf>, %select_n3A_305, %reduce_min3A_306 [1] : vector<256x4096xf32> to vector<256xf32>
    %broadcast_in_dim3A_308 = vector.shape_cast %reduce_min3A_307 : vector<256xf32> to vector<256x1xf32>
    %eq3A_309 = vector.broadcast %broadcast_in_dim3A_308 : vector<256x1xf32> to vector<256x4096xf32>
    %eq3A_310 = arith.cmpf oeq, %select_n3A_305, %eq3A_309 : vector<256x4096xf32>
    %jit3A_311 = arith.constant 4096 : i32
    %broadcast_in_dim3A_312 = vector.broadcast %jit3A_311 : i32 to vector<256x4096xi32>
    %select_n3A_313 = arith.select %eq3A_310, %iota3A_67, %broadcast_in_dim3A_312 : vector<256x4096xi1>, vector<256x4096xi32>
    %reduce_min3A_314 = arith.constant dense<2147483647> : vector<256xi32>
    %reduce_min3A_315 = vector.multi_reduction <minsi>, %select_n3A_313, %reduce_min3A_314 [1] : vector<256x4096xi32> to vector<256xi32>
    %broadcast_in_dim3A_316 = vector.shape_cast %reduce_min3A_315 : vector<256xi32> to vector<256x1xi32>
    %concatenate3A = tpu.concatenate %broadcast_in_dim3A_76, %broadcast_in_dim3A_92, %broadcast_in_dim3A_108, %broadcast_in_dim3A_124, %broadcast_in_dim3A_140, %broadcast_in_dim3A_156, %broadcast_in_dim3A_172, %broadcast_in_dim3A_188, %broadcast_in_dim3A_204, %broadcast_in_dim3A_220, %broadcast_in_dim3A_236, %broadcast_in_dim3A_252, %broadcast_in_dim3A_268, %broadcast_in_dim3A_284, %broadcast_in_dim3A_300, %broadcast_in_dim3A_316 in 1 : vector<256x1xi32>, vector<256x1xi32>, vector<256x1xi32>, vector<256x1xi32>, vector<256x1xi32>, vector<256x1xi32>, vector<256x1xi32>, vector<256x1xi32>, vector<256x1xi32>, vector<256x1xi32>, vector<256x1xi32>, vector<256x1xi32>, vector<256x1xi32>, vector<256x1xi32>, vector<256x1xi32>, vector<256x1xi32> -> vector<256x16xi32>
    %mul3A_317 = arith.constant 4096 : i32
    %mul3A_318 = arith.muli %arg0, %mul3A_317 : i32
    %add3A_319 = vector.broadcast %mul3A_318 : i32 to vector<256x16xi32>
    %add3A_320 = arith.addi %concatenate3A, %add3A_319 : vector<256x16xi32>
    %swap3A = arith.constant 0 : index
    %swap3A_321 = arith.constant 0 : index
    %swap3A_322 = arith.constant 0 : index
    %swap3A_323 = vector.load %arg8[%swap3A, %swap3A_321, %swap3A_322] : memref<1x256x16xi32, #tpu.memory_space<vmem>>, vector<1x256x16xi32>
    %swap3A_324 = vector.shape_cast %swap3A_323 : vector<1x256x16xi32> to vector<256x16xi32>
    %swap3A_325 = vector.shape_cast %add3A_320 : vector<256x16xi32> to vector<1x256x16xi32>
    tpu.vector_store %arg8[%swap3A, %swap3A_321, %swap3A_322], %swap3A_325 {strides = array<i32>} : memref<1x256x16xi32, #tpu.memory_space<vmem>>, vector<1x256x16xi32>,
    return
  }
  func.func @transform_0(%arg0: i32, %arg1: i32) -> (i32, i32, i32) {
    %mul3A = arith.constant 4 : i32
    %mul3A_0 = arith.muli %arg0, %mul3A : i32
    %add3A = arith.addi %mul3A_0, %arg1 : i32
    %c0_i32 = arith.constant 0 : i32
    %c0_i32_1 = arith.constant 0 : i32
    %c0_i32_2 = arith.constant 0 : i32
    return %add3A, %c0_i32, %c0_i32_1 : i32, i32, i32
  }
  func.func @transform_1(%arg0: i32, %arg1: i32) -> (i32, i32, i32) {
    %mul3A = arith.constant 4 : i32
    %mul3A_0 = arith.muli %arg0, %mul3A : i32
    %add3A = arith.addi %mul3A_0, %arg1 : i32
    %c0_i32 = arith.constant 0 : i32
    %c0_i32_1 = arith.constant 0 : i32
    %c0_i32_2 = arith.constant 0 : i32
    return %add3A, %c0_i32, %c0_i32_1 : i32, i32, i32
  }
  func.func @transform_2(%arg0: i32, %arg1: i32) -> (i32, i32, i32) {
    %mul3A = arith.constant 4 : i32
    %mul3A_0 = arith.muli %arg0, %mul3A : i32
    %add3A = arith.addi %mul3A_0, %arg1 : i32
    %c0_i32 = arith.constant 0 : i32
    %c0_i32_1 = arith.constant 0 : i32
    %c0_i32_2 = arith.constant 0 : i32
    return %add3A, %c0_i32, %c0_i32_1 : i32, i32, i32
  }
  func.func @transform_3(%arg0: i32, %arg1: i32) -> (i32, i32, i32) {
    %c0_i32 = arith.constant 0 : i32
    %c0_i32_0 = arith.constant 0 : i32
    %c0_i32_1 = arith.constant 0 : i32
    return %arg0, %c0_i32, %c0_i32_0 : i32, i32, i32
  }
  func.func @transform_4(%arg0: i32, %arg1: i32) -> (i32, i32, i32) {
    %c0_i32 = arith.constant 0 : i32
    %c0_i32_0 = arith.constant 0 : i32
    %c0_i32_1 = arith.constant 0 : i32
    return %arg0, %c0_i32, %c0_i32_0 : i32, i32, i32
  }
  func.func @transform_5(%arg0: i32, %arg1: i32) -> (i32, i32, i32) {
    %c0_i32 = arith.constant 0 : i32
    %c0_i32_0 = arith.constant 0 : i32
    %c0_i32_1 = arith.constant 0 : i32
    return %arg0, %c0_i32, %c0_i32_0 : i32, i32, i32
  }
  func.func @transform_6(%arg0: i32, %arg1: i32) -> (i32, i32, i32) {
    %c0_i32 = arith.constant 0 : i32
    %c0_i32_0 = arith.constant 0 : i32
    return %arg0, %arg1, %c0_i32 : i32, i32, i32
  }
}

module attributes {stable_mosaic.version = 14 : i64} {
  func.func @_table_body(%arg0: i32, %arg1: memref<2048x3xf32, #tpu.memory_space<vmem>>, %arg2: memref<2048x64xf32, #tpu.memory_space<vmem>>, %arg3: memref<64x64xf32, #tpu.memory_space<vmem>>, %arg4: memref<1x64xf32, #tpu.memory_space<vmem>>, %arg5: memref<2048x128xf32, #tpu.memory_space<vmem>>) attributes {dimension_semantics = [#tpu.dimension_semantics<arbitrary>], iteration_bounds = array<i64: 16>, scalar_prefetch = 0 : i64, scratch_operands = 0 : i64, tpu.core_type = #tpu.core_type<tc>, window_params = [{transform_indices = @transform_0, window_bounds = array<i64: 2048, 3>}, {transform_indices = @transform_1, window_bounds = array<i64: 2048, 64>}, {pipeline_mode = #tpu.pipeline_mode<synchronous>, transform_indices = @transform_2, window_bounds = array<i64: 64, 64>}, {pipeline_mode = #tpu.pipeline_mode<synchronous>, transform_indices = @transform_3, window_bounds = array<i64: 1, 64>}, {transform_indices = @transform_4, window_bounds = array<i64: 2048, 128>}]} {
    %get3A = arith.constant 0 : index
    %get3A_0 = arith.constant 0 : index
    %get3A_1 = vector.load %arg2[%get3A, %get3A_0] : memref<2048x64xf32, #tpu.memory_space<vmem>>, vector<2048x64xf32>
    %get3A_2 = arith.constant 0 : index
    %get3A_3 = arith.constant 0 : index
    %get3A_4 = vector.load %arg3[%get3A_2, %get3A_3] : memref<64x64xf32, #tpu.memory_space<vmem>>, vector<64x64xf32>
    %dot_general3A = arith.constant dense<0.000000e+00> : vector<2048x64xf32>
    %dot_general3A_5 = tpu.matmul %get3A_1, %get3A_4, %dot_general3A {dimension_numbers = #tpu.dot_dimension_numbers<[1], [0], [0], [1], [0, 0, 1, 1], [], []>, transpose_lhs_hint = false} : vector<2048x64xf32>, vector<64x64xf32>, vector<2048x64xf32> -> vector<2048x64xf32>
    %get3A_6 = arith.constant 0 : index
    %get3A_7 = arith.constant 0 : index
    %get3A_8 = vector.load %arg4[%get3A_6, %get3A_7] : memref<1x64xf32, #tpu.memory_space<vmem>>, vector<1x64xf32>
    %add3A = vector.broadcast %get3A_8 : vector<1x64xf32> to vector<2048x64xf32>
    %add3A_9 = arith.addf %dot_general3A_5, %add3A : vector<2048x64xf32>
    %gt3A = arith.constant 0.000000e+00 : f32
    %gt3A_10 = vector.broadcast %gt3A : f32 to vector<2048x64xf32>
    %gt3A_11 = arith.cmpf ogt, %add3A_9, %gt3A_10 : vector<2048x64xf32>
    %exp3A = math.exp %add3A_9 : vector<2048x64xf32>
    %sub3A = arith.constant 1.000000e+00 : f32
    %sub3A_12 = vector.broadcast %sub3A : f32 to vector<2048x64xf32>
    %sub3A_13 = arith.subf %exp3A, %sub3A_12 : vector<2048x64xf32>
    %select_n3A = arith.select %gt3A_11, %add3A_9, %sub3A_13 : vector<2048x64xi1>, vector<2048x64xf32>
    %broadcast_in_dim3A = arith.constant 0.000000e+00 : f32
    %broadcast_in_dim3A_14 = vector.broadcast %broadcast_in_dim3A : f32 to vector<2048x61xf32>
    %get3A_15 = arith.constant 0 : index
    %get3A_16 = arith.constant 0 : index
    %get3A_17 = vector.load %arg1[%get3A_15, %get3A_16] : memref<2048x3xf32, #tpu.memory_space<vmem>>, vector<2048x3xf32>
    %concatenate3A = tpu.concatenate %get3A_17, %select_n3A, %broadcast_in_dim3A_14 in 1 : vector<2048x3xf32>, vector<2048x64xf32>, vector<2048x61xf32> -> vector<2048x128xf32>
    %swap3A = arith.constant 0 : index
    %swap3A_18 = arith.constant 0 : index
    %swap3A_19 = vector.load %arg5[%swap3A, %swap3A_18] : memref<2048x128xf32, #tpu.memory_space<vmem>>, vector<2048x128xf32>
    tpu.vector_store %arg5[%swap3A, %swap3A_18], %concatenate3A {strides = array<i32>} : memref<2048x128xf32, #tpu.memory_space<vmem>>, vector<2048x128xf32>,
    return
  }
  func.func @transform_0(%arg0: i32) -> (i32, i32) {
    %c0_i32 = arith.constant 0 : i32
    %c0_i32_0 = arith.constant 0 : i32
    return %arg0, %c0_i32 : i32, i32
  }
  func.func @transform_1(%arg0: i32) -> (i32, i32) {
    %c0_i32 = arith.constant 0 : i32
    %c0_i32_0 = arith.constant 0 : i32
    return %arg0, %c0_i32 : i32, i32
  }
  func.func @transform_2(%arg0: i32) -> (i32, i32) {
    %c0_i32 = arith.constant 0 : i32
    %c0_i32_0 = arith.constant 0 : i32
    %c0_i32_1 = arith.constant 0 : i32
    return %c0_i32, %c0_i32_0 : i32, i32
  }
  func.func @transform_3(%arg0: i32) -> (i32, i32) {
    %c0_i32 = arith.constant 0 : i32
    %c0_i32_0 = arith.constant 0 : i32
    %c0_i32_1 = arith.constant 0 : i32
    return %c0_i32, %c0_i32_0 : i32, i32
  }
  func.func @transform_4(%arg0: i32) -> (i32, i32) {
    %c0_i32 = arith.constant 0 : i32
    %c0_i32_0 = arith.constant 0 : i32
    return %arg0, %c0_i32 : i32, i32
  }
}

module attributes {stable_mosaic.version = 14 : i64} {
  func.func @_tail_body(%arg0: i32, %arg1: memref<256x2048xf32, #tpu.memory_space<vmem>>, %arg2: memref<256x128xf32, #tpu.memory_space<vmem>>, %arg3: memref<48x512xf32, #tpu.memory_space<vmem>>, %arg4: memref<1x512xf32, #tpu.memory_space<vmem>>, %arg5: memref<512x512xf32, #tpu.memory_space<vmem>>, %arg6: memref<1x512xf32, #tpu.memory_space<vmem>>, %arg7: memref<48x256xf32, #tpu.memory_space<vmem>>, %arg8: memref<1x256xf32, #tpu.memory_space<vmem>>, %arg9: memref<256x256xf32, #tpu.memory_space<vmem>>, %arg10: memref<1x256xf32, #tpu.memory_space<vmem>>, %arg11: memref<256x256xf32, #tpu.memory_space<vmem>>, %arg12: memref<1x256xf32, #tpu.memory_space<vmem>>, %arg13: memref<16x192xf32, #tpu.memory_space<vmem>>, %arg14: memref<1x192xf32, #tpu.memory_space<vmem>>, %arg15: memref<192x128xf32, #tpu.memory_space<vmem>>, %arg16: memref<1x128xf32, #tpu.memory_space<vmem>>, %arg17: memref<256x128xf32, #tpu.memory_space<vmem>>) attributes {dimension_semantics = [#tpu.dimension_semantics<arbitrary>], iteration_bounds = array<i64: 32>, scalar_prefetch = 0 : i64, scratch_operands = 0 : i64, tpu.core_type = #tpu.core_type<tc>, window_params = [{transform_indices = @transform_0, window_bounds = array<i64: 256, 2048>}, {transform_indices = @transform_1, window_bounds = array<i64: 256, 128>}, {pipeline_mode = #tpu.pipeline_mode<synchronous>, transform_indices = @transform_2, window_bounds = array<i64: 48, 512>}, {pipeline_mode = #tpu.pipeline_mode<synchronous>, transform_indices = @transform_3, window_bounds = array<i64: 1, 512>}, {pipeline_mode = #tpu.pipeline_mode<synchronous>, transform_indices = @transform_4, window_bounds = array<i64: 512, 512>}, {pipeline_mode = #tpu.pipeline_mode<synchronous>, transform_indices = @transform_5, window_bounds = array<i64: 1, 512>}, {pipeline_mode = #tpu.pipeline_mode<synchronous>, transform_indices = @transform_6, window_bounds = array<i64: 48, 256>}, {pipeline_mode = #tpu.pipeline_mode<synchronous>, transform_indices = @transform_7, window_bounds = array<i64: 1, 256>}, {pipeline_mode = #tpu.pipeline_mode<synchronous>, transform_indices = @transform_8, window_bounds = array<i64: 256, 256>}, {pipeline_mode = #tpu.pipeline_mode<synchronous>, transform_indices = @transform_9, window_bounds = array<i64: 1, 256>}, {pipeline_mode = #tpu.pipeline_mode<synchronous>, transform_indices = @transform_10, window_bounds = array<i64: 256, 256>}, {pipeline_mode = #tpu.pipeline_mode<synchronous>, transform_indices = @transform_11, window_bounds = array<i64: 1, 256>}, {pipeline_mode = #tpu.pipeline_mode<synchronous>, transform_indices = @transform_12, window_bounds = array<i64: 16, 192>}, {pipeline_mode = #tpu.pipeline_mode<synchronous>, transform_indices = @transform_13, window_bounds = array<i64: 1, 192>}, {pipeline_mode = #tpu.pipeline_mode<synchronous>, transform_indices = @transform_14, window_bounds = array<i64: 192, 128>}, {pipeline_mode = #tpu.pipeline_mode<synchronous>, transform_indices = @transform_15, window_bounds = array<i64: 1, 128>}, {transform_indices = @transform_16, window_bounds = array<i64: 256, 128>}]} {
    %get3A = arith.constant 0 : index
    %get3A_0 = arith.constant 0 : index
    %get3A_1 = vector.load %arg1[%get3A, %get3A_0] : memref<256x2048xf32, #tpu.memory_space<vmem>>, vector<256x2048xf32>
    %get3A_2 = arith.constant 0 : index
    %get3A_3 = arith.constant 0 : index
    %get3A_4 = vector.load %arg2[%get3A_2, %get3A_3] : memref<256x128xf32, #tpu.memory_space<vmem>>, vector<256x3xf32>
    %slice3A = vector.extract_strided_slice %get3A_1 {offsets = [0, 0], sizes = [256, 3], strides = [1, 1]} : vector<256x2048xf32> to vector<256x3xf32>
    %slice3A_5 = vector.extract_strided_slice %get3A_1 {offsets = [0, 128], sizes = [256, 3], strides = [1, 1]} : vector<256x2048xf32> to vector<256x3xf32>
    %slice3A_6 = vector.extract_strided_slice %get3A_1 {offsets = [0, 256], sizes = [256, 3], strides = [1, 1]} : vector<256x2048xf32> to vector<256x3xf32>
    %slice3A_7 = vector.extract_strided_slice %get3A_1 {offsets = [0, 384], sizes = [256, 3], strides = [1, 1]} : vector<256x2048xf32> to vector<256x3xf32>
    %slice3A_8 = vector.extract_strided_slice %get3A_1 {offsets = [0, 512], sizes = [256, 3], strides = [1, 1]} : vector<256x2048xf32> to vector<256x3xf32>
    %slice3A_9 = vector.extract_strided_slice %get3A_1 {offsets = [0, 640], sizes = [256, 3], strides = [1, 1]} : vector<256x2048xf32> to vector<256x3xf32>
    %slice3A_10 = vector.extract_strided_slice %get3A_1 {offsets = [0, 768], sizes = [256, 3], strides = [1, 1]} : vector<256x2048xf32> to vector<256x3xf32>
    %slice3A_11 = vector.extract_strided_slice %get3A_1 {offsets = [0, 896], sizes = [256, 3], strides = [1, 1]} : vector<256x2048xf32> to vector<256x3xf32>
    %slice3A_12 = vector.extract_strided_slice %get3A_1 {offsets = [0, 1024], sizes = [256, 3], strides = [1, 1]} : vector<256x2048xf32> to vector<256x3xf32>
    %slice3A_13 = vector.extract_strided_slice %get3A_1 {offsets = [0, 1152], sizes = [256, 3], strides = [1, 1]} : vector<256x2048xf32> to vector<256x3xf32>
    %slice3A_14 = vector.extract_strided_slice %get3A_1 {offsets = [0, 1280], sizes = [256, 3], strides = [1, 1]} : vector<256x2048xf32> to vector<256x3xf32>
    %slice3A_15 = vector.extract_strided_slice %get3A_1 {offsets = [0, 1408], sizes = [256, 3], strides = [1, 1]} : vector<256x2048xf32> to vector<256x3xf32>
    %slice3A_16 = vector.extract_strided_slice %get3A_1 {offsets = [0, 1536], sizes = [256, 3], strides = [1, 1]} : vector<256x2048xf32> to vector<256x3xf32>
    %slice3A_17 = vector.extract_strided_slice %get3A_1 {offsets = [0, 1664], sizes = [256, 3], strides = [1, 1]} : vector<256x2048xf32> to vector<256x3xf32>
    %slice3A_18 = vector.extract_strided_slice %get3A_1 {offsets = [0, 1792], sizes = [256, 3], strides = [1, 1]} : vector<256x2048xf32> to vector<256x3xf32>
    %slice3A_19 = vector.extract_strided_slice %get3A_1 {offsets = [0, 1920], sizes = [256, 3], strides = [1, 1]} : vector<256x2048xf32> to vector<256x3xf32>
    %concatenate3A = tpu.concatenate %slice3A, %slice3A_5, %slice3A_6, %slice3A_7, %slice3A_8, %slice3A_9, %slice3A_10, %slice3A_11, %slice3A_12, %slice3A_13, %slice3A_14, %slice3A_15, %slice3A_16, %slice3A_17, %slice3A_18, %slice3A_19 in 1 : vector<256x3xf32>, vector<256x3xf32>, vector<256x3xf32>, vector<256x3xf32>, vector<256x3xf32>, vector<256x3xf32>, vector<256x3xf32>, vector<256x3xf32>, vector<256x3xf32>, vector<256x3xf32>, vector<256x3xf32>, vector<256x3xf32>, vector<256x3xf32>, vector<256x3xf32>, vector<256x3xf32>, vector<256x3xf32> -> vector<256x48xf32>
    %concatenate3A_20 = tpu.concatenate %get3A_4, %get3A_4, %get3A_4, %get3A_4, %get3A_4, %get3A_4, %get3A_4, %get3A_4, %get3A_4, %get3A_4, %get3A_4, %get3A_4, %get3A_4, %get3A_4, %get3A_4, %get3A_4 in 1 : vector<256x3xf32>, vector<256x3xf32>, vector<256x3xf32>, vector<256x3xf32>, vector<256x3xf32>, vector<256x3xf32>, vector<256x3xf32>, vector<256x3xf32>, vector<256x3xf32>, vector<256x3xf32>, vector<256x3xf32>, vector<256x3xf32>, vector<256x3xf32>, vector<256x3xf32>, vector<256x3xf32>, vector<256x3xf32> -> vector<256x48xf32>
    %sub3A = arith.subf %concatenate3A, %concatenate3A_20 : vector<256x48xf32>
    %get3A_21 = arith.constant 0 : index
    %get3A_22 = arith.constant 0 : index
    %get3A_23 = vector.load %arg3[%get3A_21, %get3A_22] : memref<48x512xf32, #tpu.memory_space<vmem>>, vector<48x512xf32>
    %dot_general3A = arith.constant dense<0.000000e+00> : vector<256x512xf32>
    %dot_general3A_24 = tpu.matmul %sub3A, %get3A_23, %dot_general3A {dimension_numbers = #tpu.dot_dimension_numbers<[1], [0], [0], [1], [0, 0, 1, 1], [], []>, transpose_lhs_hint = false} : vector<256x48xf32>, vector<48x512xf32>, vector<256x512xf32> -> vector<256x512xf32>
    %get3A_25 = arith.constant 0 : index
    %get3A_26 = arith.constant 0 : index
    %get3A_27 = vector.load %arg4[%get3A_25, %get3A_26] : memref<1x512xf32, #tpu.memory_space<vmem>>, vector<1x512xf32>
    %add3A = vector.broadcast %get3A_27 : vector<1x512xf32> to vector<256x512xf32>
    %add3A_28 = arith.addf %dot_general3A_24, %add3A : vector<256x512xf32>
    %gt3A = arith.constant 0.000000e+00 : f32
    %gt3A_29 = vector.broadcast %gt3A : f32 to vector<256x512xf32>
    %gt3A_30 = arith.cmpf ogt, %add3A_28, %gt3A_29 : vector<256x512xf32>
    %exp3A = math.exp %add3A_28 : vector<256x512xf32>
    %sub3A_31 = arith.constant 1.000000e+00 : f32
    %sub3A_32 = vector.broadcast %sub3A_31 : f32 to vector<256x512xf32>
    %sub3A_33 = arith.subf %exp3A, %sub3A_32 : vector<256x512xf32>
    %select_n3A = arith.select %gt3A_30, %add3A_28, %sub3A_33 : vector<256x512xi1>, vector<256x512xf32>
    %get3A_34 = arith.constant 0 : index
    %get3A_35 = arith.constant 0 : index
    %get3A_36 = vector.load %arg5[%get3A_34, %get3A_35] : memref<512x512xf32, #tpu.memory_space<vmem>>, vector<512x512xf32>
    %dot_general3A_37 = arith.constant dense<0.000000e+00> : vector<256x512xf32>
    %dot_general3A_38 = tpu.matmul %select_n3A, %get3A_36, %dot_general3A_37 {dimension_numbers = #tpu.dot_dimension_numbers<[1], [0], [0], [1], [0, 0, 1, 1], [], []>, transpose_lhs_hint = false} : vector<256x512xf32>, vector<512x512xf32>, vector<256x512xf32> -> vector<256x512xf32>
    %get3A_39 = arith.constant 0 : index
    %get3A_40 = arith.constant 0 : index
    %get3A_41 = vector.load %arg6[%get3A_39, %get3A_40] : memref<1x512xf32, #tpu.memory_space<vmem>>, vector<1x512xf32>
    %add3A_42 = vector.broadcast %get3A_41 : vector<1x512xf32> to vector<256x512xf32>
    %add3A_43 = arith.addf %dot_general3A_38, %add3A_42 : vector<256x512xf32>
    %gt3A_44 = arith.constant 0.000000e+00 : f32
    %gt3A_45 = vector.broadcast %gt3A_44 : f32 to vector<256x512xf32>
    %gt3A_46 = arith.cmpf ogt, %add3A_43, %gt3A_45 : vector<256x512xf32>
    %exp3A_47 = math.exp %add3A_43 : vector<256x512xf32>
    %sub3A_48 = arith.constant 1.000000e+00 : f32
    %sub3A_49 = vector.broadcast %sub3A_48 : f32 to vector<256x512xf32>
    %sub3A_50 = arith.subf %exp3A_47, %sub3A_49 : vector<256x512xf32>
    %select_n3A_51 = arith.select %gt3A_46, %add3A_43, %sub3A_50 : vector<256x512xi1>, vector<256x512xf32>
    %get3A_52 = arith.constant 0 : index
    %get3A_53 = arith.constant 0 : index
    %get3A_54 = vector.load %arg7[%get3A_52, %get3A_53] : memref<48x256xf32, #tpu.memory_space<vmem>>, vector<48x256xf32>
    %dot_general3A_55 = arith.constant dense<0.000000e+00> : vector<256x256xf32>
    %dot_general3A_56 = tpu.matmul %sub3A, %get3A_54, %dot_general3A_55 {dimension_numbers = #tpu.dot_dimension_numbers<[1], [0], [0], [1], [0, 0, 1, 1], [], []>, transpose_lhs_hint = false} : vector<256x48xf32>, vector<48x256xf32>, vector<256x256xf32> -> vector<256x256xf32>
    %get3A_57 = arith.constant 0 : index
    %get3A_58 = arith.constant 0 : index
    %get3A_59 = vector.load %arg8[%get3A_57, %get3A_58] : memref<1x256xf32, #tpu.memory_space<vmem>>, vector<1x256xf32>
    %add3A_60 = vector.broadcast %get3A_59 : vector<1x256xf32> to vector<256x256xf32>
    %add3A_61 = arith.addf %dot_general3A_56, %add3A_60 : vector<256x256xf32>
    %gt3A_62 = arith.constant 0.000000e+00 : f32
    %gt3A_63 = vector.broadcast %gt3A_62 : f32 to vector<256x256xf32>
    %gt3A_64 = arith.cmpf ogt, %add3A_61, %gt3A_63 : vector<256x256xf32>
    %exp3A_65 = math.exp %add3A_61 : vector<256x256xf32>
    %sub3A_66 = arith.constant 1.000000e+00 : f32
    %sub3A_67 = vector.broadcast %sub3A_66 : f32 to vector<256x256xf32>
    %sub3A_68 = arith.subf %exp3A_65, %sub3A_67 : vector<256x256xf32>
    %select_n3A_69 = arith.select %gt3A_64, %add3A_61, %sub3A_68 : vector<256x256xi1>, vector<256x256xf32>
    %get3A_70 = arith.constant 0 : index
    %get3A_71 = arith.constant 0 : index
    %get3A_72 = vector.load %arg9[%get3A_70, %get3A_71] : memref<256x256xf32, #tpu.memory_space<vmem>>, vector<256x256xf32>
    %dot_general3A_73 = arith.constant dense<0.000000e+00> : vector<256x256xf32>
    %dot_general3A_74 = tpu.matmul %select_n3A_69, %get3A_72, %dot_general3A_73 {dimension_numbers = #tpu.dot_dimension_numbers<[1], [0], [0], [1], [0, 0, 1, 1], [], []>, transpose_lhs_hint = false} : vector<256x256xf32>, vector<256x256xf32>, vector<256x256xf32> -> vector<256x256xf32>
    %get3A_75 = arith.constant 0 : index
    %get3A_76 = arith.constant 0 : index
    %get3A_77 = vector.load %arg10[%get3A_75, %get3A_76] : memref<1x256xf32, #tpu.memory_space<vmem>>, vector<1x256xf32>
    %add3A_78 = vector.broadcast %get3A_77 : vector<1x256xf32> to vector<256x256xf32>
    %add3A_79 = arith.addf %dot_general3A_74, %add3A_78 : vector<256x256xf32>
    %gt3A_80 = arith.constant 0.000000e+00 : f32
    %gt3A_81 = vector.broadcast %gt3A_80 : f32 to vector<256x256xf32>
    %gt3A_82 = arith.cmpf ogt, %add3A_79, %gt3A_81 : vector<256x256xf32>
    %exp3A_83 = math.exp %add3A_79 : vector<256x256xf32>
    %sub3A_84 = arith.constant 1.000000e+00 : f32
    %sub3A_85 = vector.broadcast %sub3A_84 : f32 to vector<256x256xf32>
    %sub3A_86 = arith.subf %exp3A_83, %sub3A_85 : vector<256x256xf32>
    %select_n3A_87 = arith.select %gt3A_82, %add3A_79, %sub3A_86 : vector<256x256xi1>, vector<256x256xf32>
    %get3A_88 = arith.constant 0 : index
    %get3A_89 = arith.constant 0 : index
    %get3A_90 = vector.load %arg11[%get3A_88, %get3A_89] : memref<256x256xf32, #tpu.memory_space<vmem>>, vector<256x256xf32>
    %dot_general3A_91 = arith.constant dense<0.000000e+00> : vector<256x256xf32>
    %dot_general3A_92 = tpu.matmul %select_n3A_87, %get3A_90, %dot_general3A_91 {dimension_numbers = #tpu.dot_dimension_numbers<[1], [0], [0], [1], [0, 0, 1, 1], [], []>, transpose_lhs_hint = false} : vector<256x256xf32>, vector<256x256xf32>, vector<256x256xf32> -> vector<256x256xf32>
    %get3A_93 = arith.constant 0 : index
    %get3A_94 = arith.constant 0 : index
    %get3A_95 = vector.load %arg12[%get3A_93, %get3A_94] : memref<1x256xf32, #tpu.memory_space<vmem>>, vector<1x256xf32>
    %add3A_96 = vector.broadcast %get3A_95 : vector<1x256xf32> to vector<256x256xf32>
    %add3A_97 = arith.addf %dot_general3A_92, %add3A_96 : vector<256x256xf32>
    %slice3A_98 = vector.extract_strided_slice %add3A_97 {offsets = [0, 0], sizes = [256, 16], strides = [1, 1]} : vector<256x256xf32> to vector<256x16xf32>
    %get3A_99 = arith.constant 0 : index
    %get3A_100 = arith.constant 0 : index
    %get3A_101 = vector.load %arg13[%get3A_99, %get3A_100] : memref<16x192xf32, #tpu.memory_space<vmem>>, vector<16x192xf32>
    %dot_general3A_102 = arith.constant dense<0.000000e+00> : vector<256x192xf32>
    %dot_general3A_103 = tpu.matmul %slice3A_98, %get3A_101, %dot_general3A_102 {dimension_numbers = #tpu.dot_dimension_numbers<[1], [0], [0], [1], [0, 0, 1, 1], [], []>, transpose_lhs_hint = false} : vector<256x16xf32>, vector<16x192xf32>, vector<256x192xf32> -> vector<256x192xf32>
    %slice3A_104 = vector.extract_strided_slice %select_n3A_51 {offsets = [0, 0], sizes = [256, 32], strides = [1, 1]} : vector<256x512xf32> to vector<256x32xf32>
    %slice3A_105 = vector.extract_strided_slice %get3A_1 {offsets = [0, 3], sizes = [256, 64], strides = [1, 1]} : vector<256x2048xf32> to vector<256x64xf32>
    %concatenate3A_106 = tpu.concatenate %slice3A_104, %slice3A_105 in 1 : vector<256x32xf32>, vector<256x64xf32> -> vector<256x96xf32>
    %concatenate3A_107 = tpu.concatenate %concatenate3A_106, %concatenate3A_106 in 1 : vector<256x96xf32>, vector<256x96xf32> -> vector<256x192xf32>
    %mul3A = arith.mulf %concatenate3A_107, %dot_general3A_103 : vector<256x192xf32>
    %slice3A_108 = vector.extract_strided_slice %add3A_97 {offsets = [0, 16], sizes = [256, 16], strides = [1, 1]} : vector<256x256xf32> to vector<256x16xf32>
    %get3A_109 = arith.constant 0 : index
    %get3A_110 = arith.constant 0 : index
    %get3A_111 = vector.load %arg13[%get3A_109, %get3A_110] : memref<16x192xf32, #tpu.memory_space<vmem>>, vector<16x192xf32>
    %dot_general3A_112 = arith.constant dense<0.000000e+00> : vector<256x192xf32>
    %dot_general3A_113 = tpu.matmul %slice3A_108, %get3A_111, %dot_general3A_112 {dimension_numbers = #tpu.dot_dimension_numbers<[1], [0], [0], [1], [0, 0, 1, 1], [], []>, transpose_lhs_hint = false} : vector<256x16xf32>, vector<16x192xf32>, vector<256x192xf32> -> vector<256x192xf32>
    %slice3A_114 = vector.extract_strided_slice %select_n3A_51 {offsets = [0, 32], sizes = [256, 32], strides = [1, 1]} : vector<256x512xf32> to vector<256x32xf32>
    %slice3A_115 = vector.extract_strided_slice %get3A_1 {offsets = [0, 131], sizes = [256, 64], strides = [1, 1]} : vector<256x2048xf32> to vector<256x64xf32>
    %concatenate3A_116 = tpu.concatenate %slice3A_114, %slice3A_115 in 1 : vector<256x32xf32>, vector<256x64xf32> -> vector<256x96xf32>
    %concatenate3A_117 = tpu.concatenate %concatenate3A_116, %concatenate3A_116 in 1 : vector<256x96xf32>, vector<256x96xf32> -> vector<256x192xf32>
    %mul3A_118 = arith.mulf %concatenate3A_117, %dot_general3A_113 : vector<256x192xf32>
    %add3A_119 = arith.addf %mul3A, %mul3A_118 : vector<256x192xf32>
    %slice3A_120 = vector.extract_strided_slice %add3A_97 {offsets = [0, 32], sizes = [256, 16], strides = [1, 1]} : vector<256x256xf32> to vector<256x16xf32>
    %get3A_121 = arith.constant 0 : index
    %get3A_122 = arith.constant 0 : index
    %get3A_123 = vector.load %arg13[%get3A_121, %get3A_122] : memref<16x192xf32, #tpu.memory_space<vmem>>, vector<16x192xf32>
    %dot_general3A_124 = arith.constant dense<0.000000e+00> : vector<256x192xf32>
    %dot_general3A_125 = tpu.matmul %slice3A_120, %get3A_123, %dot_general3A_124 {dimension_numbers = #tpu.dot_dimension_numbers<[1], [0], [0], [1], [0, 0, 1, 1], [], []>, transpose_lhs_hint = false} : vector<256x16xf32>, vector<16x192xf32>, vector<256x192xf32> -> vector<256x192xf32>
    %slice3A_126 = vector.extract_strided_slice %select_n3A_51 {offsets = [0, 64], sizes = [256, 32], strides = [1, 1]} : vector<256x512xf32> to vector<256x32xf32>
    %slice3A_127 = vector.extract_strided_slice %get3A_1 {offsets = [0, 259], sizes = [256, 64], strides = [1, 1]} : vector<256x2048xf32> to vector<256x64xf32>
    %concatenate3A_128 = tpu.concatenate %slice3A_126, %slice3A_127 in 1 : vector<256x32xf32>, vector<256x64xf32> -> vector<256x96xf32>
    %concatenate3A_129 = tpu.concatenate %concatenate3A_128, %concatenate3A_128 in 1 : vector<256x96xf32>, vector<256x96xf32> -> vector<256x192xf32>
    %mul3A_130 = arith.mulf %concatenate3A_129, %dot_general3A_125 : vector<256x192xf32>
    %add3A_131 = arith.addf %add3A_119, %mul3A_130 : vector<256x192xf32>
    %slice3A_132 = vector.extract_strided_slice %add3A_97 {offsets = [0, 48], sizes = [256, 16], strides = [1, 1]} : vector<256x256xf32> to vector<256x16xf32>
    %get3A_133 = arith.constant 0 : index
    %get3A_134 = arith.constant 0 : index
    %get3A_135 = vector.load %arg13[%get3A_133, %get3A_134] : memref<16x192xf32, #tpu.memory_space<vmem>>, vector<16x192xf32>
    %dot_general3A_136 = arith.constant dense<0.000000e+00> : vector<256x192xf32>
    %dot_general3A_137 = tpu.matmul %slice3A_132, %get3A_135, %dot_general3A_136 {dimension_numbers = #tpu.dot_dimension_numbers<[1], [0], [0], [1], [0, 0, 1, 1], [], []>, transpose_lhs_hint = false} : vector<256x16xf32>, vector<16x192xf32>, vector<256x192xf32> -> vector<256x192xf32>
    %slice3A_138 = vector.extract_strided_slice %select_n3A_51 {offsets = [0, 96], sizes = [256, 32], strides = [1, 1]} : vector<256x512xf32> to vector<256x32xf32>
    %slice3A_139 = vector.extract_strided_slice %get3A_1 {offsets = [0, 387], sizes = [256, 64], strides = [1, 1]} : vector<256x2048xf32> to vector<256x64xf32>
    %concatenate3A_140 = tpu.concatenate %slice3A_138, %slice3A_139 in 1 : vector<256x32xf32>, vector<256x64xf32> -> vector<256x96xf32>
    %concatenate3A_141 = tpu.concatenate %concatenate3A_140, %concatenate3A_140 in 1 : vector<256x96xf32>, vector<256x96xf32> -> vector<256x192xf32>
    %mul3A_142 = arith.mulf %concatenate3A_141, %dot_general3A_137 : vector<256x192xf32>
    %add3A_143 = arith.addf %add3A_131, %mul3A_142 : vector<256x192xf32>
    %slice3A_144 = vector.extract_strided_slice %add3A_97 {offsets = [0, 64], sizes = [256, 16], strides = [1, 1]} : vector<256x256xf32> to vector<256x16xf32>
    %get3A_145 = arith.constant 0 : index
    %get3A_146 = arith.constant 0 : index
    %get3A_147 = vector.load %arg13[%get3A_145, %get3A_146] : memref<16x192xf32, #tpu.memory_space<vmem>>, vector<16x192xf32>
    %dot_general3A_148 = arith.constant dense<0.000000e+00> : vector<256x192xf32>
    %dot_general3A_149 = tpu.matmul %slice3A_144, %get3A_147, %dot_general3A_148 {dimension_numbers = #tpu.dot_dimension_numbers<[1], [0], [0], [1], [0, 0, 1, 1], [], []>, transpose_lhs_hint = false} : vector<256x16xf32>, vector<16x192xf32>, vector<256x192xf32> -> vector<256x192xf32>
    %slice3A_150 = vector.extract_strided_slice %select_n3A_51 {offsets = [0, 128], sizes = [256, 32], strides = [1, 1]} : vector<256x512xf32> to vector<256x32xf32>
    %slice3A_151 = vector.extract_strided_slice %get3A_1 {offsets = [0, 515], sizes = [256, 64], strides = [1, 1]} : vector<256x2048xf32> to vector<256x64xf32>
    %concatenate3A_152 = tpu.concatenate %slice3A_150, %slice3A_151 in 1 : vector<256x32xf32>, vector<256x64xf32> -> vector<256x96xf32>
    %concatenate3A_153 = tpu.concatenate %concatenate3A_152, %concatenate3A_152 in 1 : vector<256x96xf32>, vector<256x96xf32> -> vector<256x192xf32>
    %mul3A_154 = arith.mulf %concatenate3A_153, %dot_general3A_149 : vector<256x192xf32>
    %add3A_155 = arith.addf %add3A_143, %mul3A_154 : vector<256x192xf32>
    %slice3A_156 = vector.extract_strided_slice %add3A_97 {offsets = [0, 80], sizes = [256, 16], strides = [1, 1]} : vector<256x256xf32> to vector<256x16xf32>
    %get3A_157 = arith.constant 0 : index
    %get3A_158 = arith.constant 0 : index
    %get3A_159 = vector.load %arg13[%get3A_157, %get3A_158] : memref<16x192xf32, #tpu.memory_space<vmem>>, vector<16x192xf32>
    %dot_general3A_160 = arith.constant dense<0.000000e+00> : vector<256x192xf32>
    %dot_general3A_161 = tpu.matmul %slice3A_156, %get3A_159, %dot_general3A_160 {dimension_numbers = #tpu.dot_dimension_numbers<[1], [0], [0], [1], [0, 0, 1, 1], [], []>, transpose_lhs_hint = false} : vector<256x16xf32>, vector<16x192xf32>, vector<256x192xf32> -> vector<256x192xf32>
    %slice3A_162 = vector.extract_strided_slice %select_n3A_51 {offsets = [0, 160], sizes = [256, 32], strides = [1, 1]} : vector<256x512xf32> to vector<256x32xf32>
    %slice3A_163 = vector.extract_strided_slice %get3A_1 {offsets = [0, 643], sizes = [256, 64], strides = [1, 1]} : vector<256x2048xf32> to vector<256x64xf32>
    %concatenate3A_164 = tpu.concatenate %slice3A_162, %slice3A_163 in 1 : vector<256x32xf32>, vector<256x64xf32> -> vector<256x96xf32>
    %concatenate3A_165 = tpu.concatenate %concatenate3A_164, %concatenate3A_164 in 1 : vector<256x96xf32>, vector<256x96xf32> -> vector<256x192xf32>
    %mul3A_166 = arith.mulf %concatenate3A_165, %dot_general3A_161 : vector<256x192xf32>
    %add3A_167 = arith.addf %add3A_155, %mul3A_166 : vector<256x192xf32>
    %slice3A_168 = vector.extract_strided_slice %add3A_97 {offsets = [0, 96], sizes = [256, 16], strides = [1, 1]} : vector<256x256xf32> to vector<256x16xf32>
    %get3A_169 = arith.constant 0 : index
    %get3A_170 = arith.constant 0 : index
    %get3A_171 = vector.load %arg13[%get3A_169, %get3A_170] : memref<16x192xf32, #tpu.memory_space<vmem>>, vector<16x192xf32>
    %dot_general3A_172 = arith.constant dense<0.000000e+00> : vector<256x192xf32>
    %dot_general3A_173 = tpu.matmul %slice3A_168, %get3A_171, %dot_general3A_172 {dimension_numbers = #tpu.dot_dimension_numbers<[1], [0], [0], [1], [0, 0, 1, 1], [], []>, transpose_lhs_hint = false} : vector<256x16xf32>, vector<16x192xf32>, vector<256x192xf32> -> vector<256x192xf32>
    %slice3A_174 = vector.extract_strided_slice %select_n3A_51 {offsets = [0, 192], sizes = [256, 32], strides = [1, 1]} : vector<256x512xf32> to vector<256x32xf32>
    %slice3A_175 = vector.extract_strided_slice %get3A_1 {offsets = [0, 771], sizes = [256, 64], strides = [1, 1]} : vector<256x2048xf32> to vector<256x64xf32>
    %concatenate3A_176 = tpu.concatenate %slice3A_174, %slice3A_175 in 1 : vector<256x32xf32>, vector<256x64xf32> -> vector<256x96xf32>
    %concatenate3A_177 = tpu.concatenate %concatenate3A_176, %concatenate3A_176 in 1 : vector<256x96xf32>, vector<256x96xf32> -> vector<256x192xf32>
    %mul3A_178 = arith.mulf %concatenate3A_177, %dot_general3A_173 : vector<256x192xf32>
    %add3A_179 = arith.addf %add3A_167, %mul3A_178 : vector<256x192xf32>
    %slice3A_180 = vector.extract_strided_slice %add3A_97 {offsets = [0, 112], sizes = [256, 16], strides = [1, 1]} : vector<256x256xf32> to vector<256x16xf32>
    %get3A_181 = arith.constant 0 : index
    %get3A_182 = arith.constant 0 : index
    %get3A_183 = vector.load %arg13[%get3A_181, %get3A_182] : memref<16x192xf32, #tpu.memory_space<vmem>>, vector<16x192xf32>
    %dot_general3A_184 = arith.constant dense<0.000000e+00> : vector<256x192xf32>
    %dot_general3A_185 = tpu.matmul %slice3A_180, %get3A_183, %dot_general3A_184 {dimension_numbers = #tpu.dot_dimension_numbers<[1], [0], [0], [1], [0, 0, 1, 1], [], []>, transpose_lhs_hint = false} : vector<256x16xf32>, vector<16x192xf32>, vector<256x192xf32> -> vector<256x192xf32>
    %slice3A_186 = vector.extract_strided_slice %select_n3A_51 {offsets = [0, 224], sizes = [256, 32], strides = [1, 1]} : vector<256x512xf32> to vector<256x32xf32>
    %slice3A_187 = vector.extract_strided_slice %get3A_1 {offsets = [0, 899], sizes = [256, 64], strides = [1, 1]} : vector<256x2048xf32> to vector<256x64xf32>
    %concatenate3A_188 = tpu.concatenate %slice3A_186, %slice3A_187 in 1 : vector<256x32xf32>, vector<256x64xf32> -> vector<256x96xf32>
    %concatenate3A_189 = tpu.concatenate %concatenate3A_188, %concatenate3A_188 in 1 : vector<256x96xf32>, vector<256x96xf32> -> vector<256x192xf32>
    %mul3A_190 = arith.mulf %concatenate3A_189, %dot_general3A_185 : vector<256x192xf32>
    %add3A_191 = arith.addf %add3A_179, %mul3A_190 : vector<256x192xf32>
    %slice3A_192 = vector.extract_strided_slice %add3A_97 {offsets = [0, 128], sizes = [256, 16], strides = [1, 1]} : vector<256x256xf32> to vector<256x16xf32>
    %get3A_193 = arith.constant 0 : index
    %get3A_194 = arith.constant 0 : index
    %get3A_195 = vector.load %arg13[%get3A_193, %get3A_194] : memref<16x192xf32, #tpu.memory_space<vmem>>, vector<16x192xf32>
    %dot_general3A_196 = arith.constant dense<0.000000e+00> : vector<256x192xf32>
    %dot_general3A_197 = tpu.matmul %slice3A_192, %get3A_195, %dot_general3A_196 {dimension_numbers = #tpu.dot_dimension_numbers<[1], [0], [0], [1], [0, 0, 1, 1], [], []>, transpose_lhs_hint = false} : vector<256x16xf32>, vector<16x192xf32>, vector<256x192xf32> -> vector<256x192xf32>
    %slice3A_198 = vector.extract_strided_slice %select_n3A_51 {offsets = [0, 256], sizes = [256, 32], strides = [1, 1]} : vector<256x512xf32> to vector<256x32xf32>
    %slice3A_199 = vector.extract_strided_slice %get3A_1 {offsets = [0, 1027], sizes = [256, 64], strides = [1, 1]} : vector<256x2048xf32> to vector<256x64xf32>
    %concatenate3A_200 = tpu.concatenate %slice3A_198, %slice3A_199 in 1 : vector<256x32xf32>, vector<256x64xf32> -> vector<256x96xf32>
    %concatenate3A_201 = tpu.concatenate %concatenate3A_200, %concatenate3A_200 in 1 : vector<256x96xf32>, vector<256x96xf32> -> vector<256x192xf32>
    %mul3A_202 = arith.mulf %concatenate3A_201, %dot_general3A_197 : vector<256x192xf32>
    %add3A_203 = arith.addf %add3A_191, %mul3A_202 : vector<256x192xf32>
    %slice3A_204 = vector.extract_strided_slice %add3A_97 {offsets = [0, 144], sizes = [256, 16], strides = [1, 1]} : vector<256x256xf32> to vector<256x16xf32>
    %get3A_205 = arith.constant 0 : index
    %get3A_206 = arith.constant 0 : index
    %get3A_207 = vector.load %arg13[%get3A_205, %get3A_206] : memref<16x192xf32, #tpu.memory_space<vmem>>, vector<16x192xf32>
    %dot_general3A_208 = arith.constant dense<0.000000e+00> : vector<256x192xf32>
    %dot_general3A_209 = tpu.matmul %slice3A_204, %get3A_207, %dot_general3A_208 {dimension_numbers = #tpu.dot_dimension_numbers<[1], [0], [0], [1], [0, 0, 1, 1], [], []>, transpose_lhs_hint = false} : vector<256x16xf32>, vector<16x192xf32>, vector<256x192xf32> -> vector<256x192xf32>
    %slice3A_210 = vector.extract_strided_slice %select_n3A_51 {offsets = [0, 288], sizes = [256, 32], strides = [1, 1]} : vector<256x512xf32> to vector<256x32xf32>
    %slice3A_211 = vector.extract_strided_slice %get3A_1 {offsets = [0, 1155], sizes = [256, 64], strides = [1, 1]} : vector<256x2048xf32> to vector<256x64xf32>
    %concatenate3A_212 = tpu.concatenate %slice3A_210, %slice3A_211 in 1 : vector<256x32xf32>, vector<256x64xf32> -> vector<256x96xf32>
    %concatenate3A_213 = tpu.concatenate %concatenate3A_212, %concatenate3A_212 in 1 : vector<256x96xf32>, vector<256x96xf32> -> vector<256x192xf32>
    %mul3A_214 = arith.mulf %concatenate3A_213, %dot_general3A_209 : vector<256x192xf32>
    %add3A_215 = arith.addf %add3A_203, %mul3A_214 : vector<256x192xf32>
    %slice3A_216 = vector.extract_strided_slice %add3A_97 {offsets = [0, 160], sizes = [256, 16], strides = [1, 1]} : vector<256x256xf32> to vector<256x16xf32>
    %get3A_217 = arith.constant 0 : index
    %get3A_218 = arith.constant 0 : index
    %get3A_219 = vector.load %arg13[%get3A_217, %get3A_218] : memref<16x192xf32, #tpu.memory_space<vmem>>, vector<16x192xf32>
    %dot_general3A_220 = arith.constant dense<0.000000e+00> : vector<256x192xf32>
    %dot_general3A_221 = tpu.matmul %slice3A_216, %get3A_219, %dot_general3A_220 {dimension_numbers = #tpu.dot_dimension_numbers<[1], [0], [0], [1], [0, 0, 1, 1], [], []>, transpose_lhs_hint = false} : vector<256x16xf32>, vector<16x192xf32>, vector<256x192xf32> -> vector<256x192xf32>
    %slice3A_222 = vector.extract_strided_slice %select_n3A_51 {offsets = [0, 320], sizes = [256, 32], strides = [1, 1]} : vector<256x512xf32> to vector<256x32xf32>
    %slice3A_223 = vector.extract_strided_slice %get3A_1 {offsets = [0, 1283], sizes = [256, 64], strides = [1, 1]} : vector<256x2048xf32> to vector<256x64xf32>
    %concatenate3A_224 = tpu.concatenate %slice3A_222, %slice3A_223 in 1 : vector<256x32xf32>, vector<256x64xf32> -> vector<256x96xf32>
    %concatenate3A_225 = tpu.concatenate %concatenate3A_224, %concatenate3A_224 in 1 : vector<256x96xf32>, vector<256x96xf32> -> vector<256x192xf32>
    %mul3A_226 = arith.mulf %concatenate3A_225, %dot_general3A_221 : vector<256x192xf32>
    %add3A_227 = arith.addf %add3A_215, %mul3A_226 : vector<256x192xf32>
    %slice3A_228 = vector.extract_strided_slice %add3A_97 {offsets = [0, 176], sizes = [256, 16], strides = [1, 1]} : vector<256x256xf32> to vector<256x16xf32>
    %get3A_229 = arith.constant 0 : index
    %get3A_230 = arith.constant 0 : index
    %get3A_231 = vector.load %arg13[%get3A_229, %get3A_230] : memref<16x192xf32, #tpu.memory_space<vmem>>, vector<16x192xf32>
    %dot_general3A_232 = arith.constant dense<0.000000e+00> : vector<256x192xf32>
    %dot_general3A_233 = tpu.matmul %slice3A_228, %get3A_231, %dot_general3A_232 {dimension_numbers = #tpu.dot_dimension_numbers<[1], [0], [0], [1], [0, 0, 1, 1], [], []>, transpose_lhs_hint = false} : vector<256x16xf32>, vector<16x192xf32>, vector<256x192xf32> -> vector<256x192xf32>
    %slice3A_234 = vector.extract_strided_slice %select_n3A_51 {offsets = [0, 352], sizes = [256, 32], strides = [1, 1]} : vector<256x512xf32> to vector<256x32xf32>
    %slice3A_235 = vector.extract_strided_slice %get3A_1 {offsets = [0, 1411], sizes = [256, 64], strides = [1, 1]} : vector<256x2048xf32> to vector<256x64xf32>
    %concatenate3A_236 = tpu.concatenate %slice3A_234, %slice3A_235 in 1 : vector<256x32xf32>, vector<256x64xf32> -> vector<256x96xf32>
    %concatenate3A_237 = tpu.concatenate %concatenate3A_236, %concatenate3A_236 in 1 : vector<256x96xf32>, vector<256x96xf32> -> vector<256x192xf32>
    %mul3A_238 = arith.mulf %concatenate3A_237, %dot_general3A_233 : vector<256x192xf32>
    %add3A_239 = arith.addf %add3A_227, %mul3A_238 : vector<256x192xf32>
    %slice3A_240 = vector.extract_strided_slice %add3A_97 {offsets = [0, 192], sizes = [256, 16], strides = [1, 1]} : vector<256x256xf32> to vector<256x16xf32>
    %get3A_241 = arith.constant 0 : index
    %get3A_242 = arith.constant 0 : index
    %get3A_243 = vector.load %arg13[%get3A_241, %get3A_242] : memref<16x192xf32, #tpu.memory_space<vmem>>, vector<16x192xf32>
    %dot_general3A_244 = arith.constant dense<0.000000e+00> : vector<256x192xf32>
    %dot_general3A_245 = tpu.matmul %slice3A_240, %get3A_243, %dot_general3A_244 {dimension_numbers = #tpu.dot_dimension_numbers<[1], [0], [0], [1], [0, 0, 1, 1], [], []>, transpose_lhs_hint = false} : vector<256x16xf32>, vector<16x192xf32>, vector<256x192xf32> -> vector<256x192xf32>
    %slice3A_246 = vector.extract_strided_slice %select_n3A_51 {offsets = [0, 384], sizes = [256, 32], strides = [1, 1]} : vector<256x512xf32> to vector<256x32xf32>
    %slice3A_247 = vector.extract_strided_slice %get3A_1 {offsets = [0, 1539], sizes = [256, 64], strides = [1, 1]} : vector<256x2048xf32> to vector<256x64xf32>
    %concatenate3A_248 = tpu.concatenate %slice3A_246, %slice3A_247 in 1 : vector<256x32xf32>, vector<256x64xf32> -> vector<256x96xf32>
    %concatenate3A_249 = tpu.concatenate %concatenate3A_248, %concatenate3A_248 in 1 : vector<256x96xf32>, vector<256x96xf32> -> vector<256x192xf32>
    %mul3A_250 = arith.mulf %concatenate3A_249, %dot_general3A_245 : vector<256x192xf32>
    %add3A_251 = arith.addf %add3A_239, %mul3A_250 : vector<256x192xf32>
    %slice3A_252 = vector.extract_strided_slice %add3A_97 {offsets = [0, 208], sizes = [256, 16], strides = [1, 1]} : vector<256x256xf32> to vector<256x16xf32>
    %get3A_253 = arith.constant 0 : index
    %get3A_254 = arith.constant 0 : index
    %get3A_255 = vector.load %arg13[%get3A_253, %get3A_254] : memref<16x192xf32, #tpu.memory_space<vmem>>, vector<16x192xf32>
    %dot_general3A_256 = arith.constant dense<0.000000e+00> : vector<256x192xf32>
    %dot_general3A_257 = tpu.matmul %slice3A_252, %get3A_255, %dot_general3A_256 {dimension_numbers = #tpu.dot_dimension_numbers<[1], [0], [0], [1], [0, 0, 1, 1], [], []>, transpose_lhs_hint = false} : vector<256x16xf32>, vector<16x192xf32>, vector<256x192xf32> -> vector<256x192xf32>
    %slice3A_258 = vector.extract_strided_slice %select_n3A_51 {offsets = [0, 416], sizes = [256, 32], strides = [1, 1]} : vector<256x512xf32> to vector<256x32xf32>
    %slice3A_259 = vector.extract_strided_slice %get3A_1 {offsets = [0, 1667], sizes = [256, 64], strides = [1, 1]} : vector<256x2048xf32> to vector<256x64xf32>
    %concatenate3A_260 = tpu.concatenate %slice3A_258, %slice3A_259 in 1 : vector<256x32xf32>, vector<256x64xf32> -> vector<256x96xf32>
    %concatenate3A_261 = tpu.concatenate %concatenate3A_260, %concatenate3A_260 in 1 : vector<256x96xf32>, vector<256x96xf32> -> vector<256x192xf32>
    %mul3A_262 = arith.mulf %concatenate3A_261, %dot_general3A_257 : vector<256x192xf32>
    %add3A_263 = arith.addf %add3A_251, %mul3A_262 : vector<256x192xf32>
    %slice3A_264 = vector.extract_strided_slice %add3A_97 {offsets = [0, 224], sizes = [256, 16], strides = [1, 1]} : vector<256x256xf32> to vector<256x16xf32>
    %get3A_265 = arith.constant 0 : index
    %get3A_266 = arith.constant 0 : index
    %get3A_267 = vector.load %arg13[%get3A_265, %get3A_266] : memref<16x192xf32, #tpu.memory_space<vmem>>, vector<16x192xf32>
    %dot_general3A_268 = arith.constant dense<0.000000e+00> : vector<256x192xf32>
    %dot_general3A_269 = tpu.matmul %slice3A_264, %get3A_267, %dot_general3A_268 {dimension_numbers = #tpu.dot_dimension_numbers<[1], [0], [0], [1], [0, 0, 1, 1], [], []>, transpose_lhs_hint = false} : vector<256x16xf32>, vector<16x192xf32>, vector<256x192xf32> -> vector<256x192xf32>
    %slice3A_270 = vector.extract_strided_slice %select_n3A_51 {offsets = [0, 448], sizes = [256, 32], strides = [1, 1]} : vector<256x512xf32> to vector<256x32xf32>
    %slice3A_271 = vector.extract_strided_slice %get3A_1 {offsets = [0, 1795], sizes = [256, 64], strides = [1, 1]} : vector<256x2048xf32> to vector<256x64xf32>
    %concatenate3A_272 = tpu.concatenate %slice3A_270, %slice3A_271 in 1 : vector<256x32xf32>, vector<256x64xf32> -> vector<256x96xf32>
    %concatenate3A_273 = tpu.concatenate %concatenate3A_272, %concatenate3A_272 in 1 : vector<256x96xf32>, vector<256x96xf32> -> vector<256x192xf32>
    %mul3A_274 = arith.mulf %concatenate3A_273, %dot_general3A_269 : vector<256x192xf32>
    %add3A_275 = arith.addf %add3A_263, %mul3A_274 : vector<256x192xf32>
    %slice3A_276 = vector.extract_strided_slice %add3A_97 {offsets = [0, 240], sizes = [256, 16], strides = [1, 1]} : vector<256x256xf32> to vector<256x16xf32>
    %get3A_277 = arith.constant 0 : index
    %get3A_278 = arith.constant 0 : index
    %get3A_279 = vector.load %arg13[%get3A_277, %get3A_278] : memref<16x192xf32, #tpu.memory_space<vmem>>, vector<16x192xf32>
    %dot_general3A_280 = arith.constant dense<0.000000e+00> : vector<256x192xf32>
    %dot_general3A_281 = tpu.matmul %slice3A_276, %get3A_279, %dot_general3A_280 {dimension_numbers = #tpu.dot_dimension_numbers<[1], [0], [0], [1], [0, 0, 1, 1], [], []>, transpose_lhs_hint = false} : vector<256x16xf32>, vector<16x192xf32>, vector<256x192xf32> -> vector<256x192xf32>
    %slice3A_282 = vector.extract_strided_slice %select_n3A_51 {offsets = [0, 480], sizes = [256, 32], strides = [1, 1]} : vector<256x512xf32> to vector<256x32xf32>
    %slice3A_283 = vector.extract_strided_slice %get3A_1 {offsets = [0, 1923], sizes = [256, 64], strides = [1, 1]} : vector<256x2048xf32> to vector<256x64xf32>
    %concatenate3A_284 = tpu.concatenate %slice3A_282, %slice3A_283 in 1 : vector<256x32xf32>, vector<256x64xf32> -> vector<256x96xf32>
    %concatenate3A_285 = tpu.concatenate %concatenate3A_284, %concatenate3A_284 in 1 : vector<256x96xf32>, vector<256x96xf32> -> vector<256x192xf32>
    %mul3A_286 = arith.mulf %concatenate3A_285, %dot_general3A_281 : vector<256x192xf32>
    %add3A_287 = arith.addf %add3A_275, %mul3A_286 : vector<256x192xf32>
    %get3A_288 = arith.constant 0 : index
    %get3A_289 = arith.constant 0 : index
    %get3A_290 = vector.load %arg14[%get3A_288, %get3A_289] : memref<1x192xf32, #tpu.memory_space<vmem>>, vector<1x192xf32>
    %add3A_291 = vector.broadcast %get3A_290 : vector<1x192xf32> to vector<256x192xf32>
    %add3A_292 = arith.addf %add3A_287, %add3A_291 : vector<256x192xf32>
    %get3A_293 = arith.constant 0 : index
    %get3A_294 = arith.constant 0 : index
    %get3A_295 = vector.load %arg15[%get3A_293, %get3A_294] : memref<192x128xf32, #tpu.memory_space<vmem>>, vector<192x128xf32>
    %dot_general3A_296 = arith.constant dense<0.000000e+00> : vector<256x128xf32>
    %dot_general3A_297 = tpu.matmul %add3A_292, %get3A_295, %dot_general3A_296 {dimension_numbers = #tpu.dot_dimension_numbers<[1], [0], [0], [1], [0, 0, 1, 1], [], []>, transpose_lhs_hint = false} : vector<256x192xf32>, vector<192x128xf32>, vector<256x128xf32> -> vector<256x128xf32>
    %get3A_298 = arith.constant 0 : index
    %get3A_299 = arith.constant 0 : index
    %get3A_300 = vector.load %arg16[%get3A_298, %get3A_299] : memref<1x128xf32, #tpu.memory_space<vmem>>, vector<1x128xf32>
    %add3A_301 = vector.broadcast %get3A_300 : vector<1x128xf32> to vector<256x128xf32>
    %add3A_302 = arith.addf %dot_general3A_297, %add3A_301 : vector<256x128xf32>
    %gt3A_303 = arith.constant 0.000000e+00 : f32
    %gt3A_304 = vector.broadcast %gt3A_303 : f32 to vector<256x128xf32>
    %gt3A_305 = arith.cmpf ogt, %add3A_302, %gt3A_304 : vector<256x128xf32>
    %exp3A_306 = math.exp %add3A_302 : vector<256x128xf32>
    %sub3A_307 = arith.constant 1.000000e+00 : f32
    %sub3A_308 = vector.broadcast %sub3A_307 : f32 to vector<256x128xf32>
    %sub3A_309 = arith.subf %exp3A_306, %sub3A_308 : vector<256x128xf32>
    %select_n3A_310 = arith.select %gt3A_305, %add3A_302, %sub3A_309 : vector<256x128xi1>, vector<256x128xf32>
    %swap3A = arith.constant 0 : index
    %swap3A_311 = arith.constant 0 : index
    %swap3A_312 = vector.load %arg17[%swap3A, %swap3A_311] : memref<256x128xf32, #tpu.memory_space<vmem>>, vector<256x128xf32>
    tpu.vector_store %arg17[%swap3A, %swap3A_311], %select_n3A_310 {strides = array<i32>} : memref<256x128xf32, #tpu.memory_space<vmem>>, vector<256x128xf32>,
    return
  }
  func.func @transform_0(%arg0: i32) -> (i32, i32) {
    %c0_i32 = arith.constant 0 : i32
    %c0_i32_0 = arith.constant 0 : i32
    return %arg0, %c0_i32 : i32, i32
  }
  func.func @transform_1(%arg0: i32) -> (i32, i32) {
    %c0_i32 = arith.constant 0 : i32
    %c0_i32_0 = arith.constant 0 : i32
    return %arg0, %c0_i32 : i32, i32
  }
  func.func @transform_2(%arg0: i32) -> (i32, i32) {
    %c0_i32 = arith.constant 0 : i32
    %c0_i32_0 = arith.constant 0 : i32
    %c0_i32_1 = arith.constant 0 : i32
    return %c0_i32, %c0_i32_0 : i32, i32
  }
  func.func @transform_3(%arg0: i32) -> (i32, i32) {
    %c0_i32 = arith.constant 0 : i32
    %c0_i32_0 = arith.constant 0 : i32
    %c0_i32_1 = arith.constant 0 : i32
    return %c0_i32, %c0_i32_0 : i32, i32
  }
  func.func @transform_4(%arg0: i32) -> (i32, i32) {
    %c0_i32 = arith.constant 0 : i32
    %c0_i32_0 = arith.constant 0 : i32
    %c0_i32_1 = arith.constant 0 : i32
    return %c0_i32, %c0_i32_0 : i32, i32
  }
  func.func @transform_5(%arg0: i32) -> (i32, i32) {
    %c0_i32 = arith.constant 0 : i32
    %c0_i32_0 = arith.constant 0 : i32
    %c0_i32_1 = arith.constant 0 : i32
    return %c0_i32, %c0_i32_0 : i32, i32
  }
  func.func @transform_6(%arg0: i32) -> (i32, i32) {
    %c0_i32 = arith.constant 0 : i32
    %c0_i32_0 = arith.constant 0 : i32
    %c0_i32_1 = arith.constant 0 : i32
    return %c0_i32, %c0_i32_0 : i32, i32
  }
  func.func @transform_7(%arg0: i32) -> (i32, i32) {
    %c0_i32 = arith.constant 0 : i32
    %c0_i32_0 = arith.constant 0 : i32
    %c0_i32_1 = arith.constant 0 : i32
    return %c0_i32, %c0_i32_0 : i32, i32
  }
  func.func @transform_8(%arg0: i32) -> (i32, i32) {
    %c0_i32 = arith.constant 0 : i32
    %c0_i32_0 = arith.constant 0 : i32
    %c0_i32_1 = arith.constant 0 : i32
    return %c0_i32, %c0_i32_0 : i32, i32
  }
  func.func @transform_9(%arg0: i32) -> (i32, i32) {
    %c0_i32 = arith.constant 0 : i32
    %c0_i32_0 = arith.constant 0 : i32
    %c0_i32_1 = arith.constant 0 : i32
    return %c0_i32, %c0_i32_0 : i32, i32
  }
  func.func @transform_10(%arg0: i32) -> (i32, i32) {
    %c0_i32 = arith.constant 0 : i32
    %c0_i32_0 = arith.constant 0 : i32
    %c0_i32_1 = arith.constant 0 : i32
    return %c0_i32, %c0_i32_0 : i32, i32
  }
  func.func @transform_11(%arg0: i32) -> (i32, i32) {
    %c0_i32 = arith.constant 0 : i32
    %c0_i32_0 = arith.constant 0 : i32
    %c0_i32_1 = arith.constant 0 : i32
    return %c0_i32, %c0_i32_0 : i32, i32
  }
  func.func @transform_12(%arg0: i32) -> (i32, i32) {
    %c0_i32 = arith.constant 0 : i32
    %c0_i32_0 = arith.constant 0 : i32
    %c0_i32_1 = arith.constant 0 : i32
    return %c0_i32, %c0_i32_0 : i32, i32
  }
  func.func @transform_13(%arg0: i32) -> (i32, i32) {
    %c0_i32 = arith.constant 0 : i32
    %c0_i32_0 = arith.constant 0 : i32
    %c0_i32_1 = arith.constant 0 : i32
    return %c0_i32, %c0_i32_0 : i32, i32
  }
  func.func @transform_14(%arg0: i32) -> (i32, i32) {
    %c0_i32 = arith.constant 0 : i32
    %c0_i32_0 = arith.constant 0 : i32
    %c0_i32_1 = arith.constant 0 : i32
    return %c0_i32, %c0_i32_0 : i32, i32
  }
  func.func @transform_15(%arg0: i32) -> (i32, i32) {
    %c0_i32 = arith.constant 0 : i32
    %c0_i32_0 = arith.constant 0 : i32
    %c0_i32_1 = arith.constant 0 : i32
    return %c0_i32, %c0_i32_0 : i32, i32
  }
  func.func @transform_16(%arg0: i32) -> (i32, i32) {
    %c0_i32 = arith.constant 0 : i32
    %c0_i32_0 = arith.constant 0 : i32
    return %arg0, %c0_i32 : i32, i32
  }
}

</mosaic_0001>

<sc_bundles>
// kernel: kernel.7.cloned.1.call-start
scs
__scs_entry_jumppad:
0x0: {  	(pc) =	sbr.rel $0x88, $3  }
0x1: {  	(tag) =	ssettag $0x0;
	lr =	simm.s32 $0x1  }
0x2: {  	[smem:$0x3F8F] =	sst lr;
	_ =	strace $0xD0000000  }
0x3: {  	_ = 	snop  }
0x4: {  	_ = 	snop  }
0x5: {  	_ = 	snop  }
0x6: {  	_ = 	snop  }
0x7: {  	_ = 	snop  }
__scs_overlays_trampoline_lowered:
0x8: {  	[smem:$0x3F9E] =	sst s0  }
0x9: {  	[smem:$0x3F9F] =	sst s1  }
0xa: {  	[smem:$0x3FA0] =	sst s2  }
0xb: {  	[smem:$0x3FA1] =	sst s3  }
0xc: {  	[smem:$0x3FA2] =	sst s4  }
0xd: {  	[smem:$0x3FA3] =	sst s5  }
0xe: {  	[smem:$0x3FA4] =	sst s6  }
0xf: {  	[smem:$0x3FA5] =	sst s7  }
0x10: {  	[smem:$0x3FA6] =	sst s8  }
0x11: {  	[smem:$0x3FA7] =	sst s9;
	s0 =	simm.s32 @!p0 $0x0  }
0x12: {  	s1 =	sld [smem:$0x3F8D];
	s0 =	simm.s32 @p0 $0x1  }
0x13: {  	[smem:$0x3FA8] =	sst s0;
	s0 =	simm.s32 @!p1 $0x0  }
0x14: {  	s2 =	sld [smem:$0x3F8C];
	s0 =	simm.s32 @p1 $0x1  }
0x15: {  	[smem:$0x3FA9] =	sst s0;
	s0 =	simm.s32 @!p2 $0x0  }
0x16: {  	s3 =	sld [smem:$0x3FDB];
	s0 =	simm.s32 @p2 $0x1  }
0x17: {  	s4 =	simm.s32 $0x1BF5;
	[smem:$0x3FAB] =	sst s0  }
0x18: {  	s0 =	sld [smem:$0x3F8E];
	_ =	swait.ge [sflag:s4], $0x0  }
0x19: {  	s7 =	sld [smem:$0x3F8F]  }
0x1a: {  	s8 =	sadd.s32 $0xFFFFE003, lr  }
0x1b: {  	s9 =	sadd.s32 $0xFFFFFEF7, lr;
	s5 =	simm.s32 $0xFFFFFFFF;
	p2 =	slt.u32 s8, $0xFFFFF086  }
0x1c: {  	p1 =	slt.u32 s9, $0xF7A;
	s5 =	simm.s32 @!p2 $0x0  }
0x1d: {  	s5 =	simm.s32 @p1 $0x1;
	p0 =	seq.s32 s7, s2  }
0x1e: {  	s7 =	smul.u32 @!p0 $0xF7A, s2;
	p2 =	seq.s32 @!p0 s5, $0x0  }
0x1f: {  	s9 =	smul.u32 $0xF7A, s1;
	s8 =	simm.s32 @!p0 $0x1BF5;
	p2 =	por !p2, p0  }
0x20: {  	[sflag:s8] =	ssyncset.s32 @!p0 $0xFFFFF086;
	s6 =	sadd.s32 @!p0 s3, s7;
	s7 =	simm.s32 @!p0 $0x108  }
0x21: {  	s3 =	sadd.s32 s3, s9;
	s6 =	sadd.s32 @!p0 $0x88, s6;
	s7 =	simm.s32 @p2 $0x1082  }
0x22: {  	[simem:s7], [sflag:s8] =	dma.local @!p0 [hbm:s6], $0xF7A  }
0x23: {  	s9 =	sor.u32 $0xD0000000, s2;
	s6 =	simm.s32 $0x108;
	_ =	swait.ge @!p0 [sflag:s8], $0x0  }
0x24: {  	s3 =	sadd.s32 $0x88, s3;
	s6 =	simm.s32 @!p1 $0x1082;
	[sflag:s4] =	ssyncset.s32 $0xFFFFF086  }
0x25: {  	[simem:s6], [sflag:s4] =	dma.local [hbm:s3], $0xF7A  }
0x26: {  	[smem:$0x3F8F] =	sst s1;
	(tag) =	ssettag s2;
	_ =	strace s9  }
0x27: {  	s1 =	sld [smem:$0x3F9F]  }
0x28: {  	s2 =	sld [smem:$0x3FA0]  }
0x29: {  	s4 =	sld [smem:$0x3FA2]  }
0x2a: {  	p0 =	seq.s32 s5, $0x0;
	s5 =	sld [smem:$0x3FA3]  }
0x2b: {  	s6 =	sld [smem:$0x3FA4]  }
0x2c: {  	s7 =	sld [smem:$0x3FA5]  }
0x2d: {  	s3 =	simm.s32 $0x108;
	s8 =	sld [smem:$0x3FA6]  }
0x2e: {  	s3 =	simm.s32 @!p0 $0x1082;
	s9 =	sld [smem:$0x3FA7]  }
0x2f: {  	lr =	sadd.s32 s0, s3;
	s0 =	sld [smem:$0x3F9E]  }
0x30: {  	s3 =	sld [smem:$0x3FA1]  }
0x31: {  	[smem:$0x3FAA] =	sst s10  }
0x32: {  	s10 =	sld [smem:$0x3FA8];
	_ =	sdelay $0x3  }
0x33: {  	p0 =	seq.s32 s10, $0x1;
	s10 =	sld [smem:$0x3FAA];
	_ =	sdelay $0x3  }
0x34: {  	[smem:$0x3FAA] =	sst s10  }
0x35: {  	s10 =	sld [smem:$0x3FA9];
	_ =	sdelay $0x3  }
0x36: {  	p1 =	seq.s32 s10, $0x1;
	s10 =	sld [smem:$0x3FAA];
	_ =	sdelay $0x3  }
0x37: {  	[smem:$0x3FAA] =	sst s10  }
0x38: {  	s10 =	sld [smem:$0x3FAB]  }
0x39: {  	_ = 	snop;
	(pc) =	sbr.ind lr, $3  }
0x3a: {  	_ = 	snop  }
0x3b: {  	_ = 	snop  }
0x3c: {  	p2 =	seq.s32 s10, $0x1;
	s10 =	sld [smem:$0x3FAA]  }
0x3d: {  	_ =	shalt  }
0x3e: {  	_ =	shalt  }
0x3f: {  	_ =	shalt  }
0x40: {  	_ =	shalt  }
0x41: {  	_ =	shalt  }
0x42: {  	_ =	shalt  }
0x43: {  	_ =	shalt  }
0x44: {  	_ =	shalt  }
0x45: {  	_ =	shalt  }
0x46: {  	_ =	shalt  }
0x47: {  	_ =	shalt  }
0x48: {  	_ =	shalt  }
0x49: {  	_ =	shalt  }
0x4a: {  	_ =	shalt  }
0x4b: {  	_ =	shalt  }
0x4c: {  	_ =	shalt  }
0x4d: {  	_ =	shalt  }
0x4e: {  	_ =	shalt  }
0x4f: {  	_ =	shalt  }
0x50: {  	_ =	shalt  }
0x51: {  	_ =	shalt  }
0x52: {  	_ =	shalt  }
0x53: {  	_ =	shalt  }
0x54: {  	_ =	shalt  }
0x55: {  	_ =	shalt  }
0x56: {  	_ =	shalt  }
0x57: {  	_ =	shalt  }
0x58: {  	_ =	shalt  }
0x59: {  	_ =	shalt  }
0x5a: {  	_ =	shalt  }
0x5b: {  	_ =	shalt  }
0x5c: {  	_ =	shalt  }
0x5d: {  	_ =	shalt  }
0x5e: {  	_ =	shalt  }
0x5f: {  	_ =	shalt  }
0x60: {  	_ =	shalt  }
0x61: {  	_ =	shalt  }
0x62: {  	_ =	shalt  }
0x63: {  	_ =	shalt  }
0x64: {  	_ =	shalt  }
0x65: {  	_ =	shalt  }
0x66: {  	_ =	shalt  }
0x67: {  	_ =	shalt  }
0x68: {  	_ =	shalt  }
0x69: {  	_ =	shalt  }
0x6a: {  	_ =	shalt  }
0x6b: {  	_ =	shalt  }
0x6c: {  	_ =	shalt  }
0x6d: {  	_ =	shalt  }
0x6e: {  	_ =	shalt  }
0x6f: {  	_ =	shalt  }
0x70: {  	_ =	shalt  }
0x71: {  	_ =	shalt  }
0x72: {  	_ =	shalt  }
0x73: {  	_ =	shalt  }
0x74: {  	_ =	shalt  }
0x75: {  	_ =	shalt  }
0x76: {  	_ =	shalt  }
0x77: {  	_ =	shalt  }
0x78: {  	_ =	shalt  }
0x79: {  	_ =	shalt  }
0x7a: {  	_ =	shalt  }
0x7b: {  	_ =	shalt  }
0x7c: {  	_ =	shalt  }
0x7d: {  	_ =	shalt  }
0x7e: {  	_ =	shalt  }
0x7f: {  	_ =	shalt  }
0x80: {  	_ =	shalt  }
0x81: {  	_ =	shalt  }
0x82: {  	_ =	shalt  }
0x83: {  	_ =	shalt  }
0x84: {  	_ =	shalt  }
0x85: {  	_ =	shalt  }
0x86: {  	_ =	shalt  }
0x87: {  	_ =	shalt  }
.Lfunc_end0:
.L_simem_size_0:
called_computation_lowered:
.L_overlay_start_0:
0x88: {  	s2 =	sld [smem:$0x3FD9]  }
0x89: {  	s3 =	sld [smem:$0x3FFE];
	_ =	sdelay $0x1  }
0x8a: {  	s1 =	srdreg.scid  }
0x8b: {  	s0 =	sand.u32 $0x1, s1  }
0x8c: {  	s14 =	sshll.u32 s0, $0xA;
	s2 =	sadd.s32 s3, s2  }
0x8d: {  	s2 =	sadd.s32 s2, s14  }
0x8e: {  	[smem:$0x3FB6] =	sst s2  }
0x8f: {  	_ = 	snop  }
0x90: {  	s2 =	sld [smem:$0x3FD0];
	_ =	sdelay $0x2  }
0x91: {  	s15 =	simm.s32 $0xA;
	s4 =	simm.s32 $0x10  }
0x92: {  	[smem:s4], [sflag:s15] =	dma.local [hbm:s2], $0x1  }
0x93: {  	_ =	swait.eq [sflag:s15], $0x1  }
0x94: {  	[sflag:s15] =	ssyncset.done $0x0  }
0x95: {  	[sflag:s15] =	ssyncadd.s32 $0xFFFFFFFF  }
0x96: {  	s16 =	sld [smem:$0x11];
	(tm) =	ssettm $0x1  }
0x97: {  	s17 =	sld [smem:$0x3FFB];
	_ =	sdelay $0x3  }
0x98: {  	_ =	strace s17  }
0x99: {  	s3 =	sld [smem:$0x3FFC];
	_ =	sdelay $0x3  }
0x9a: {  	_ =	strace s3  }
0x9b: {  	s3 =	sld [smem:$0x3FFD];
	_ =	sdelay $0x3  }
0x9c: {  	_ =	strace s3  }
0x9d: {  	_ =	strace $0x8FFFFFFF  }
0x9e: {  	s18 =	sld [smem:$0x3FDB];
	_ =	sdelay $0x1  }
0x9f: {  	s19 =	simm.s32 $_scs_section_size  }
0xa0: {  	s5 =	simm.s32 $_size__tile_overlayer_lowered;
	s6 =	simm.s32 $_tile_overlayer_lowered  }
0xa1: {  	s22 =	simm.s32 $0x1BFF;
	s21 =	sshll.u32 s6, $0x1;
	s3 =	sadd.s32 s19, s18  }
0xa2: {  	s7 =	simm.s32 $0x0;
	s20 =	sshll.u32 s5, $0x1;
	s5 =	sadd.s32 s21, s3  }
0xa3: {  	[timem:s7], [sflag:s22] =	dma.local [hbm:s5], s20  }
0xa4: {  	_ =	swait.ge [sflag:s22], s20  }
0xa5: {  	s4 =	ssub.s32 $0x0, s20;
	[sflag:s22] =	ssyncset.done $0x0  }
0xa6: {  	[sflag:s22] =	ssyncadd.s32 s4;
	_ =	sdelay $0x1  }
0xa7: {  	s23 =	simm.s32 $0x1B8B  }
0xa8: {  	_ =	swait.ge [sflag:s23], $0x1  }
0xa9: {  	[sflag:s23] =	ssyncset.done $0x0  }
0xaa: {  	s25 =	simm.s32 $0x1B8E;
	s24 =	sld [smem:$0x3FFE];
	[sflag:s23] =	ssyncadd.s32 $0xFFFFFFFF  }
0xab: {  	s26 =	simm.s32 $execute0_lowered;
	[smem:$0x3FD2] =	sst s25  }
0xac: {  	s5 =	sshll.u32 s26, $0x1;
	_ =	strace $0x80000046;
	[dreg:$0x1] =	wrdreg $0xFFFFFFFF  }
0xad: {  	s28 =	simm.s32 $_size_execute0_lowered;
	s3 =	sadd.s32 s3, s5;
	[dreg:$0x0] =	wrdreg $0x0  }
0xae: {  	s5 =	sshll.u32 s28, $0x1;
	[dreg:$0x2] =	wrdreg s3  }
0xaf: {  	[dreg:$0x3] =	wrdreg s5  }
0xb0: {  	[dreg:$0x4] =	wrdreg $0xC0  }
0xb1: {  	_ =	task [dreg:s7], $0x5FFFF  }
0xb2: {  	[dreg:$0x1] =	wrdreg $0xFFFFFFFF  }
0xb3: {  	[dreg:$0x0] =	wrdreg $0x60  }
0xb4: {  	[dreg:$0x2] =	wrdreg s24  }
0xb5: {  	[dreg:$0x3] =	wrdreg s16  }
0xb6: {  	[dreg:$0x4] =	wrdreg $0x9  }
0xb7: {  	_ =	task.clear_ibuf [dreg:s7], $0x5FFFF;
	_ =	strace $0x90000046  }
0xb8: {  	s29 =	simm.s32 $0x9;
	_ =	strace $0x80000048  }
0xb9: {  	_ =	swait.ge [sflag:s29], $0x1  }
0xba: {  	[sflag:s29] =	ssyncadd.s32 $0xFFFFFFFF  }
0xbb: {  	_ =	strace $0x90000048  }
0xbc: {  	_ =	sfence  }
0xbd: {  	s30 =	sld [smem:$0x0];
	_ =	sdelay $0x2  }
0xbe: {  	s31 =	sshll.u32 s1, $0xD;
	s1 =	sshrl.u32 s1, $0x2  }
0xbf: {  	s3 =	sand.u32 $0x4000, s31;
	s1 =	sadd.s32 s1, s30  }
0xc0: {  	s0 =	sor.u32 s3, s0;
	s1 =	sshll.u32 s1, $0x11  }
0xc1: {  	s0 =	sor.u32 s1, s0  }
0xc2: {  	s0 =	sadd.s32 $0x8F2B, s0  }
0xc3: {  	[sflag:s0] =	ssyncadd.remote.s32 $0x1  }
0xc4: {  	_ =	sfence.sel $0xFFFF  }
0xc5: {  	[dreg:$0x0] =	wrdreg $0xFFFFFFFF;
	(pc) =	sbr.abs _section_cstart, $3  }
0xc6: {  	[dreg:$0x1] =	wrdreg $0xFFFFFFFF  }
0xc7: {  	_ =	task.clear_ibuf [dreg:s7], $0x2FFFF;
	_ =	strace $0x9FFFFFFF  }
0xc8: {  	(tm) =	ssettm $0x7FFFFFFF  }
0xc9: {  	_ =	shalt  }
tec
execute0_lowered:
.L_overlay_start_1:
0x0: {  	(tag) =	ssettag $0x1  }
0x1: {  	s4 =	rddreg [dreg:$0x0]  }
0x2: {  	s5 =	rddreg [dreg:$0x1]  }
0x3: {  	s0 =	rddreg [dreg:$0x2]  }
0x4: {  	s3 =	srdreg.scid;
	s1 =	stileid.u32  }
0x5: {  	s2 =	simm.s32 $0x0;
	s10 =	simm.s32 $0x1;
	s11 =	simm.s32 $0x0  }
0x6: {  	s3 =	sand.u32 $0x1, s3;
	s6 =	smul.u32 $0x110000, s1;
	[smem:$0x7FF] =	sst s2  }
0x7: {  	s8 =	sshll.u32 s1, $0x1;
	s7 =	smul.u32 $0x88000, s3;
	s9 =	ssub.s32 $0x2, s3  }
0x8: {  	_ =	strace $0x80000047;
	s3 =	sor.u32 s3, s8;
	s31 =	sshrl.u32 s9, $0x1  }
0x9: {  	s8 =	smul.u32 $0x220, s3;
	s3 =	sadd.s32 $0x3600, s4;
	s6 =	sadd.s32 s7, s6  }
0xa: {  	s7 =	ssub.s32 s9, s31;
	s9 =	simm.s32 $0x1100;
	s6 =	sshrl.u32 s6, $0x3  }
0xb: {  	s6 =	sadd.s32 s6, s4;
	s4 =	sadd.s32 s5, s8;
	s5 =	smax.u32 s7, $0x1  }
0xc: {  	s7 =	simm.s32 $0x2;
	s8 =	simm.s32 $0x80;
	s6 =	sadd.s32 $0x83600, s6  }
.LBB2_1:
0xd: {  	[tilespmem:s2], [sflag:$0x2] =	stream.linear.gather [hbm4b:s4+s2], $0x1100, $0x38;
	[tilespmem:$0x5100] =	vst v63  }
0xe: {  	_ =	swait.ge [sflag:s7], $0x1100  }
0xf: {  	[sflag:s7] =	ssyncset.done $0x0  }
0x10: {  	s12 =	simm.s32 $0x0;
	[sflag:s7] =	ssyncadd.s32 $0xFFFFEF00  }
0x11: {  	[tilespmem:s9], [sflag:$0x1] =	stream.indirect.gather [hbm4b:s3+s8], $0x80, s12, s8, $0xb8;
	[tilespmem:$0x5100] =	vst v63  }
0x12: {  	_ =	swait.ge [sflag:s10], $0x4000  }
0x13: {  	[sflag:s10] =	ssyncset.done $0x0  }
0x14: {  	[sflag:s10] =	ssyncadd.s32 $0xFFFFC000  }
0x15: {  	[hbm4b:s6+s2] =	stream.linear.scatter [tilespmem:s9], [sflag:$0x2], $0x4000, $0x38;
	[tilespmem:$0x5100] =	vst v63  }
0x16: {  	s13 =	simm.s32 $0x200;
	_ =	swait.ge [sflag:s7], $0x4000  }
0x17: {  	s14 =	simm.s32 $0x400;
	s12 =	sadd.s32 $0x800, s6;
	[sflag:s7] =	ssyncset.done $0x0  }
.LBB2_2:
0x18: {  	s15 =	sshra.s32 s13, $0x2  }
0x19: {  	[sflag:s7] =	ssyncadd.s32 $0xFFFFC000;
	s13 =	smov.u32 s14;
	s16 =	sadd.s32 $0x200, s14  }
0x1a: {  	[tilespmem:s9], [sflag:$0x1] =	stream.indirect.gather [hbm4b:s3+s8], $0x80, s15, s8, $0xb8;
	[tilespmem:$0x5100] =	vst v63  }
0x1b: {  	p0 =	sne.s32 s14, $0x4200;
	_ =	swait.ge [sflag:s10], $0x4000  }
.Ltmp0:
0x1c: {  	[sflag:s10] =	ssyncset.done $0x0;
	(pc) =	sbr.rel @p0 .LBB2_2-.Ltmp0, $4  }
0x1d: {  	[sflag:s10] =	ssyncadd.s32 $0xFFFFC000  }
0x1e: {  	[hbm4b:s12+s2] =	stream.linear.scatter [tilespmem:s9], [sflag:$0x2], $0x4000, $0x38;
	[tilespmem:$0x5100] =	vst v63  }
0x1f: {  	_ =	swait.ge [sflag:s7], $0x4000  }
0x20: {  	s14 =	smov.u32 s16;
	s12 =	sadd.s32 $0x800, s12;
	[sflag:s7] =	ssyncset.done $0x0  }
0x21: {  	s13 =	sshra.s32 s13, $0x2;
	[sflag:s7] =	ssyncadd.s32 $0xFFFFC000  }
0x22: {  	[tilespmem:s9], [sflag:$0x1] =	stream.indirect.gather [hbm4b:s3+s8], $0x80, s13, s8, $0xb8;
	[tilespmem:$0x5100] =	vst v63  }
0x23: {  	s11 =	sadd.s32 $0x1, s11;
	_ =	swait.ge [sflag:s10], $0x4000  }
0x24: {  	p0 =	sne.s32 s11, s5;
	[sflag:s10] =	ssyncset.done $0x0  }
.Ltmp1:
0x25: {  	[sflag:s10] =	ssyncadd.s32 $0xFFFFC000;
	(pc) =	sbr.rel @p0 .LBB2_1-.Ltmp1, $4  }
0x26: {  	[hbm4b:s12+s2] =	stream.linear.scatter [tilespmem:s9], [sflag:$0x2], $0x4000, $0x38;
	[tilespmem:$0x5100] =	vst v63  }
0x27: {  	_ =	swait.ge [sflag:s7], $0x4000  }
0x28: {  	[sflag:s7] =	ssyncset.done $0x0  }
0x29: {  	[sflag:s7] =	ssyncadd.s32 $0xFFFFC000  }
0x2a: {  	_ =	sfence.sel $0x180000  }
0x2b: {  	[bflag:$0x0] =	sbarrier.arrive $0xFFFF  }
0x2c: {  	p0 =	sne.s32 s1, $0x0;
	_ =	strace $0x90000047  }
0x2d: {  	s0 =	sadd.s32 @!p0 $0x100000, s0;
	[bflag:$0x2] =	sbarrier.arrive $0xFFFF  }
0x2e: {  	[sflag:s0] =	ssyncadd.tile.s32 @!p0 $0x1;
	_ =	shalt  }
.Lfunc_end2:
_tile_overlayer_lowered:
.L_overlay_start_2:
0x2f: {  	(tag) =	ssettag $0x2  }
0x30: {  	s0 =	rddreg [dreg:$0x0];
	s2 =	stileid.u32  }
0x31: {  	s1 =	rddreg [dreg:$0x1];
	p0 =	sne.s32 s2, $0x0  }
0x32: {  	s3 =	rddreg [dreg:$0x2];
	[bflag:$0x3] =	sbarrier.arrive $0xFFFF;
	s2 =	simm.s32 @!p0 $0x1C02  }
0x33: {  	[timem:s3], [sflag:s2] =	dma.local @!p0 [hbm:s0], s1  }
0x34: {  	s0 =	simm.s32 @!p0 $0x2  }
0x35: {  	_ =	swait.ge @!p0 [sflag:s0], s1  }
0x36: {  	s1 =	ssub.s32 @!p0 $0x0, s1;
	[sflag:s0] =	ssyncset.done @!p0 $0x0  }
0x37: {  	[sflag:s0] =	ssyncadd.s32 @!p0 s1  }
0x38: {  	[bflag:$0x3] =	sbarrier.arrive $0xFFFF  }
0x39: {  	_ =	shalt  }

</sc_bundles>
